<compile_context>
chip_gen: v7x
topology: tpu7x:2x2x1
jax: 0.10.2.dev20260603
libtpu: 0.0.44.dev20260713+nightly
codegen_flags: <defaults>
</compile_context>

<pallas_src>
import functools

import jax
import jax.numpy as jnp
from jax import lax
from jax.experimental import pallas as pl
from jax.experimental.pallas import tpu as pltpu
from jax.experimental.pallas import tpu_sc as plsc

N = 10000
E = 320000
D = 128
NC = 2
NS = 16
NW = NC * NS
CH = 128
NCHUNK = 79
EPW = NCHUNK * CH
EPAD = EPW * NW
DH = D // 2
EPC = EPAD // NS
CHS = 128
NCH2 = EPC // CHS
NPAD = 10112
RPW = NPAD // NS

BLK = 1000
GRID = N // BLK

_mesh = plsc.VectorSubcoreMesh(core_axis_name="c", subcore_axis_name="s")


@functools.partial(
    pl.kernel,
    out_type=jax.ShapeDtypeStruct((NC, NPAD, 16), jnp.float32),
    mesh=_mesh,
    scratch_types=[
        pltpu.VMEM((NCHUNK, CH), jnp.int32),
        pltpu.VMEM((CH, 16), jnp.float32),
        pltpu.VMEM_SHARED((NPAD, 16), jnp.float32),
    ],
)
def _sc_degree(dst_hbm, zeros_hbm, out_hbm, dstv, onesv, acc_sh):
    c = lax.axis_index("c")
    s = lax.axis_index("s")
    wid = c * NS + s
    pltpu.sync_copy(dst_hbm.at[wid], dstv)

    @pl.loop(0, CH)
    def _(i):
        onesv[i, pl.ds(0, 16)] = jnp.ones((16,), jnp.float32)

    pltpu.sync_copy(zeros_hbm.at[pl.ds(s * RPW, RPW)],
                    acc_sh.at[pl.ds(s * RPW, RPW)])
    plsc.subcore_barrier()

    @pl.loop(0, NCHUNK)
    def _(j):
        pltpu.sync_copy(onesv, acc_sh.at[dstv.at[j]], add=True)

    plsc.subcore_barrier()
    pltpu.sync_copy(acc_sh.at[pl.ds(s * RPW, RPW)],
                    out_hbm.at[c, pl.ds(s * RPW, RPW)])


@functools.partial(
    pl.kernel,
    out_type=jax.ShapeDtypeStruct((NC, NPAD, DH), jnp.float32),
    mesh=_mesh,
    scratch_types=[
        pltpu.VMEM((NCH2, CHS), jnp.int32),
        pltpu.VMEM((NCH2, CHS), jnp.int32),
        pltpu.VMEM((CHS, DH), jnp.float32),
        pltpu.VMEM((CHS, DH), jnp.float32),
        pltpu.VMEM_SHARED((NPAD, DH), jnp.float32),
        pltpu.SemaphoreType.DMA,
        pltpu.SemaphoreType.DMA,
    ],
    compiler_params=pltpu.CompilerParams(use_tc_tiling_on_sc=False),
)
def _sc_segsum(g_hbm, src_hbm, dst_hbm, zeros_hbm, out_hbm,
               srcv, dstv, buf0, buf1, acc_sh, sem0, sem1):
    c = lax.axis_index("c")
    s = lax.axis_index("s")
    pltpu.sync_copy(src_hbm.at[s], srcv)
    pltpu.sync_copy(dst_hbm.at[s], dstv)
    pltpu.sync_copy(zeros_hbm.at[pl.ds(s * RPW, RPW)],
                    acc_sh.at[pl.ds(s * RPW, RPW)])
    plsc.subcore_barrier()
    gsrc = g_hbm.at[c]

    pltpu.async_copy(gsrc.at[srcv.at[0]], buf0, sem0)

    @pl.loop(0, NCH2, step=2)
    def _(j):
        pltpu.make_async_copy(gsrc.at[srcv.at[j]], buf0, sem0).wait()
        pltpu.async_copy(gsrc.at[srcv.at[j + 1]], buf1, sem1)
        pltpu.sync_copy(buf0, acc_sh.at[dstv.at[j]], add=True)
        pltpu.make_async_copy(gsrc.at[srcv.at[j + 1]], buf1, sem1).wait()

        @pl.when(j + 2 < NCH2)
        def _():
            pltpu.async_copy(gsrc.at[srcv.at[j + 2]], buf0, sem0)

        pltpu.sync_copy(buf1, acc_sh.at[dstv.at[j + 1]], add=True)

    plsc.subcore_barrier()
    pltpu.sync_copy(acc_sh.at[pl.ds(s * RPW, RPW)],
                    out_hbm.at[c, pl.ds(s * RPW, RPW)])


def _tc_pre1(degp_ref, x_ref, w1_ref, h1_ref, dinv_ref, g1_ref):
    deg = degp_ref[0] + degp_ref[1] + 1.0
    dinv = lax.rsqrt(deg)
    dinv_ref[...] = dinv
    h1 = jnp.dot(x_ref[...], w1_ref[...], preferred_element_type=jnp.float32)
    h1_ref[...] = h1
    g1 = h1 * dinv[:, 0:1]
    g1_ref[0] = g1[:, :DH]
    g1_ref[1] = g1[:, DH:]


def _tc_post1(p_ref, h1_ref, dinv_ref, b1_ref, out1_ref, stats_ref):
    d = dinv_ref[:, 0:1]
    p = jnp.concatenate([p_ref[0], p_ref[1]], axis=-1)
    acc = d * p + (d * d) * h1_ref[...] + b1_ref[...]
    out1_ref[...] = acc

    @pl.when(pl.program_id(0) == 0)
    def _():
        stats_ref[...] = jnp.zeros_like(stats_ref)

    stats_ref[0:1, :] += jnp.sum(acc, axis=0, keepdims=True)
    stats_ref[1:2, :] += jnp.sum(acc * acc, axis=0, keepdims=True)


def _tc_mid(out1_ref, stats_ref, bg_ref, bb_ref, w2_ref, dinv_ref,
            h2_ref, g2_ref):
    mean = stats_ref[0:1, :] * (1.0 / N)
    var = stats_ref[1:2, :] * (1.0 / N) - mean * mean
    x2 = (out1_ref[...] - mean) * lax.rsqrt(var + 1e-5) * bg_ref[...] + bb_ref[...]
    x2 = jnp.maximum(x2, 0.0)
    h2 = jnp.dot(x2, w2_ref[...], preferred_element_type=jnp.float32)
    h2_ref[...] = h2
    g2 = h2 * dinv_ref[:, 0:1]
    g2_ref[0] = g2[:, :DH]
    g2_ref[1] = g2[:, DH:]


def _tc_post2(p_ref, h2_ref, dinv_ref, b2_ref, lg_ref, lb_ref, lw_ref,
              lbias_ref, z_ref):
    d = dinv_ref[:, 0:1]
    p = jnp.concatenate([p_ref[0], p_ref[1]], axis=-1)
    acc = d * p + (d * d) * h2_ref[...] + b2_ref[...]
    mu = jnp.mean(acc, axis=-1, keepdims=True)
    v = jnp.mean(acc * acc, axis=-1, keepdims=True) - mu * mu
    y = (acc - mu) * lax.rsqrt(v + 1e-5) * lg_ref[...] + lb_ref[...]
    y = jnp.maximum(y, 0.0)
    z = lax.dot_general(y, lw_ref[...], (((1,), (1,)), ((), ())),
                        preferred_element_type=jnp.float32)
    z_ref[...] = z + lbias_ref[...]


def _row_spec(width):
    return pl.BlockSpec((BLK, width), lambda i: (i, 0))


def _full_spec(shape):
    return pl.BlockSpec(shape, lambda i: tuple(0 for _ in shape))


def kernel(x, edge_index, W1, b1, bn_gamma, bn_beta, W2, b2,
           ln_gamma, ln_beta, lin_W, lin_b):
    f32 = jnp.float32
    src = edge_index[0].astype(jnp.int32)
    dst = edge_index[1].astype(jnp.int32)
    pad = EPAD - E
    src_p = jnp.concatenate([src, jnp.zeros((pad,), jnp.int32)])
    dst_p = jnp.concatenate([dst, jnp.full((pad,), N, jnp.int32)])
    src_deg = src_p.reshape(NW, NCHUNK, CH)
    dst_deg = dst_p.reshape(NW, NCHUNK, CH)
    src_seg = src_p.reshape(NS, NCH2, CHS)
    dst_seg = dst_p.reshape(NS, NCH2, CHS)
    zeros16 = jnp.zeros((NPAD, 16), f32)
    zerosH = jnp.zeros((NPAD, DH), f32)
    b1r = b1.reshape(1, D)
    b2r = b2.reshape(1, D)
    bgr = bn_gamma.reshape(1, D)
    bbr = bn_beta.reshape(1, D)
    lgr = ln_gamma.reshape(1, D)
    lbr = ln_beta.reshape(1, D)
    lbias = lin_b.reshape(1, D)

    degp = _sc_degree(dst_deg, zeros16)

    gsplit_spec = pl.BlockSpec((NC, BLK, DH), lambda i: (0, i, 0))
    gsplit_shape = jax.ShapeDtypeStruct((NC, N, DH), f32)

    h1, dinv, g1 = pl.pallas_call(
        _tc_pre1,
        grid=(GRID,),
        in_specs=[pl.BlockSpec((NC, BLK, 16), lambda i: (0, i, 0)),
                  _row_spec(D), _full_spec((D, D))],
        out_specs=[_row_spec(D), _row_spec(16), gsplit_spec],
        out_shape=[jax.ShapeDtypeStruct((N, D), f32),
                   jax.ShapeDtypeStruct((N, 16), f32),
                   gsplit_shape],
    )(degp, x, W1)

    p1 = _sc_segsum(g1, src_seg, dst_seg, zerosH)

    out1, stats = pl.pallas_call(
        _tc_post1,
        grid=(GRID,),
        in_specs=[pl.BlockSpec((NC, BLK, DH), lambda i: (0, i, 0)),
                  _row_spec(D), _row_spec(16), _full_spec((1, D))],
        out_specs=[_row_spec(D), _full_spec((8, D))],
        out_shape=[jax.ShapeDtypeStruct((N, D), f32),
                   jax.ShapeDtypeStruct((8, D), f32)],
    )(p1, h1, dinv, b1r)

    h2, g2 = pl.pallas_call(
        _tc_mid,
        grid=(GRID,),
        in_specs=[_row_spec(D), _full_spec((8, D)), _full_spec((1, D)),
                  _full_spec((1, D)), _full_spec((D, D)), _row_spec(16)],
        out_specs=[_row_spec(D), gsplit_spec],
        out_shape=[jax.ShapeDtypeStruct((N, D), f32), gsplit_shape],
    )(out1, stats, bgr, bbr, W2, dinv)

    p2 = _sc_segsum(g2, src_seg, dst_seg, zerosH)

    z = pl.pallas_call(
        _tc_post2,
        grid=(GRID,),
        in_specs=[pl.BlockSpec((NC, BLK, DH), lambda i: (0, i, 0)),
                  _row_spec(D), _row_spec(16), _full_spec((1, D)),
                  _full_spec((1, D)), _full_spec((1, D)), _full_spec((D, D)),
                  _full_spec((1, D))],
        out_specs=_row_spec(D),
        out_shape=jax.ShapeDtypeStruct((N, D), f32),
    )(p2, h2, dinv, b2r, lgr, lbr, lin_W, lbias)

    return z

# --- scband reference (transcript-rebuilt; emitter-appended) ---
"""Pipeline reference for scband-net-60129542953 (READ-ONLY COPY).

The authoritative reference and input builder live on the scoring server;
editing this copy changes nothing except your own understanding.
"""

import jax, jax.numpy as jnp
import numpy as np

N_NODES = 10000
N_EDGES = 320000
D_IN = 128
D_HID = 128
D_OUT = 128


def setup_inputs(seed: int = 0) -> dict:
    key = jax.random.key(seed)
    ks = jax.random.split(key, 12)
    x = jax.random.normal(ks[0], (N_NODES, D_IN), dtype=jnp.float32)
    edge_index = jax.random.randint(ks[1], (2, N_EDGES), 0, N_NODES, dtype=jnp.int64)
    W1 = jax.random.normal(ks[2], (D_IN, D_HID), dtype=jnp.float32) * (1.0 / np.sqrt(D_IN))
    b1 = jnp.zeros((D_HID,), dtype=jnp.float32)
    bn_gamma = jnp.ones((D_HID,), dtype=jnp.float32)
    bn_beta = jnp.zeros((D_HID,), dtype=jnp.float32)
    W2 = jax.random.normal(ks[3], (D_HID, D_OUT), dtype=jnp.float32) * (1.0 / np.sqrt(D_HID))
    b2 = jnp.zeros((D_OUT,), dtype=jnp.float32)
    ln_gamma = jnp.ones((D_OUT,), dtype=jnp.float32)
    ln_beta = jnp.zeros((D_OUT,), dtype=jnp.float32)
    lin_W = jax.random.normal(ks[4], (D_OUT, D_OUT), dtype=jnp.float32) * (1.0 / np.sqrt(D_OUT))
    lin_b = jnp.zeros((D_OUT,), dtype=jnp.float32)
    return {"x": x, "edge_index": edge_index, "W1": W1, "b1": b1,
            "bn_gamma": bn_gamma, "bn_beta": bn_beta, "W2": W2, "b2": b2,
            "ln_gamma": ln_gamma, "ln_beta": ln_beta, "lin_W": lin_W, "lin_b": lin_b}


def _gcn_conv(x, src, dst, W, b):
    N = x.shape[0]
    loop = jnp.arange(N, dtype=src.dtype)
    s = jnp.concatenate([src, loop])
    d = jnp.concatenate([dst, loop])
    deg = jax.ops.segment_sum(jnp.ones(s.shape[0], dtype=x.dtype), d, num_segments=N)
    dinv = jax.lax.rsqrt(jnp.maximum(deg, 1e-12))
    norm = dinv[s] * dinv[d]
    h = x @ W
    msg = jnp.take(h, s, axis=0) * norm[:, None]
    out = jax.ops.segment_sum(msg, d, num_segments=N)
    return out + b


def reference(x, edge_index, W1, b1, bn_gamma, bn_beta, W2, b2, ln_gamma, ln_beta, lin_W, lin_b):
    src = edge_index[0]
    dst = edge_index[1]
    # GCNConv 1
    h = _gcn_conv(x, src, dst, W1, b1)
    # BatchNorm1d (training-mode batch statistics, eps=1e-5)
    mean = jnp.mean(h, axis=0)
    var = jnp.var(h, axis=0)
    h = (h - mean) * jax.lax.rsqrt(var + 1e-5) * bn_gamma + bn_beta
    h = jax.nn.relu(h)
    # GCNConv 2
    h = _gcn_conv(h, src, dst, W2, b2)
    # LayerNorm (eps=1e-5)
    mu = jnp.mean(h, axis=-1, keepdims=True)
    v = jnp.var(h, axis=-1, keepdims=True)
    h = (h - mu) * jax.lax.rsqrt(v + 1e-5) * ln_gamma + ln_beta
    h = jax.nn.relu(h)
    # Linear
    z = h @ lin_W.T + lin_b
    return z

if __name__ == "__main__":
    import jax
    _d = setup_inputs()
    print(jax.jit(kernel)(*tuple(_d.values())))

</pallas_src>

<mosaic_0001>
#map = affine_map<(d0, d1) -> (0, 0, 0)>
#map1 = affine_map<(d0, d1) -> (0, 0)>
module attributes {stable_mosaic.version = 14 : i64} {
  func.func @_sc_segsum(%arg0: i32, %arg1: i32, %arg2: memref<2x10000x64xf32, #tpu.memory_space<hbm>>, %arg3: memref<16x158x128xi32, #tpu.memory_space<hbm>>, %arg4: memref<16x158x128xi32, #tpu.memory_space<hbm>>, %arg5: memref<10112x64xf32, #tpu.memory_space<hbm>>, %arg6: memref<2x10112x64xf32, #tpu.memory_space<hbm>>, %arg7: memref<158x128xi32, #tpu.memory_space<vmem>>, %arg8: memref<158x128xi32, #tpu.memory_space<vmem>>, %arg9: memref<128x64xf32, #tpu.memory_space<vmem>>, %arg10: memref<128x64xf32, #tpu.memory_space<vmem>>, %arg11: memref<10112x64xf32, #tpu.memory_space<vmem_shared>>, %arg12: memref<!tpu.dma_semaphore, #tpu.memory_space<semaphore_mem>>, %arg13: memref<!tpu.dma_semaphore, #tpu.memory_space<semaphore_mem>>) attributes {dimension_semantics = [#tpu.dimension_semantics<core_parallel>, #tpu.dimension_semantics<subcore_parallel>], iteration_bounds = array<i64: 2, 16>, scalar_prefetch = 0 : i64, scratch_operands = 7 : i64, tpu.core_type = #tpu.core_type<sc_vector_subcore>, window_params = [{transform_indices = #map}, {transform_indices = #map}, {transform_indices = #map}, {transform_indices = #map1}, {transform_indices = #map}]} {
    "tpu.region"() ({
      %run_scoped3A = tpu.sem_alloc : memref<!tpu.dma_semaphore, #tpu.memory_space<semaphore_mem>>
      %dma_start3A_22 = arith.constant 0 : i32
      %dma_start3A_23 = arith.constant 0 : i32
      %dma_start3A_24 = tpu.memref_slice %arg3[%arg1, %dma_start3A_22, %dma_start3A_23] : memref<16x158x128xi32, #tpu.memory_space<hbm>> -> memref<1x158x128xi32, #tpu.memory_space<hbm>>
      %dma_start3A_25 = tpu.memref_squeeze %dma_start3A_24 : memref<1x158x128xi32, #tpu.memory_space<hbm>> -> memref<158x128xi32, #tpu.memory_space<hbm>>
      %dma_start3A_26 = arith.constant 0 : i32
      %dma_start3A_27 = arith.constant 0 : i32
      %dma_start3A_28 = tpu.memref_slice %arg3[%arg1, %dma_start3A_26, %dma_start3A_27] : memref<16x158x128xi32, #tpu.memory_space<hbm>> -> memref<1x158x128xi32, #tpu.memory_space<hbm>>
      %dma_start3A_29 = tpu.memref_squeeze %dma_start3A_28 : memref<1x158x128xi32, #tpu.memory_space<hbm>> -> memref<158x128xi32, #tpu.memory_space<hbm>>
      tpu.enqueue_dma source(%dma_start3A_29 : memref<158x128xi32, #tpu.memory_space<hbm>>) target(%arg7 : memref<158x128xi32, #tpu.memory_space<vmem>>) target_semaphore(%run_scoped3A : memref<!tpu.dma_semaphore, #tpu.memory_space<semaphore_mem>>)
      %dma_wait3A = arith.constant 0 : i32
      %dma_wait3A_30 = arith.constant 0 : i32
      %dma_wait3A_31 = tpu.memref_slice %arg3[%arg1, %dma_wait3A, %dma_wait3A_30] : memref<16x158x128xi32, #tpu.memory_space<hbm>> -> memref<1x158x128xi32, #tpu.memory_space<hbm>>
      %dma_wait3A_32 = tpu.memref_squeeze %dma_wait3A_31 : memref<1x158x128xi32, #tpu.memory_space<hbm>> -> memref<158x128xi32, #tpu.memory_space<hbm>>
      %dma_wait3A_33 = arith.constant 0 : i32
      %dma_wait3A_34 = arith.constant 0 : i32
      %dma_wait3A_35 = tpu.memref_slice %arg3[%arg1, %dma_wait3A_33, %dma_wait3A_34] : memref<16x158x128xi32, #tpu.memory_space<hbm>> -> memref<1x158x128xi32, #tpu.memory_space<hbm>>
      %dma_wait3A_36 = tpu.memref_squeeze %dma_wait3A_35 : memref<1x158x128xi32, #tpu.memory_space<hbm>> -> memref<158x128xi32, #tpu.memory_space<hbm>>
      tpu.wait_dma2 semaphore(%run_scoped3A : memref<!tpu.dma_semaphore, #tpu.memory_space<semaphore_mem>>) src(%dma_wait3A_36 : memref<158x128xi32, #tpu.memory_space<hbm>>) dst(%arg7 : memref<158x128xi32, #tpu.memory_space<vmem>>)
      tpu.yield
    }) : () -> ()
    "tpu.region"() ({
      %run_scoped3A = tpu.sem_alloc : memref<!tpu.dma_semaphore, #tpu.memory_space<semaphore_mem>>
      %dma_start3A_22 = arith.constant 0 : i32
      %dma_start3A_23 = arith.constant 0 : i32
      %dma_start3A_24 = tpu.memref_slice %arg4[%arg1, %dma_start3A_22, %dma_start3A_23] : memref<16x158x128xi32, #tpu.memory_space<hbm>> -> memref<1x158x128xi32, #tpu.memory_space<hbm>>
      %dma_start3A_25 = tpu.memref_squeeze %dma_start3A_24 : memref<1x158x128xi32, #tpu.memory_space<hbm>> -> memref<158x128xi32, #tpu.memory_space<hbm>>
      %dma_start3A_26 = arith.constant 0 : i32
      %dma_start3A_27 = arith.constant 0 : i32
      %dma_start3A_28 = tpu.memref_slice %arg4[%arg1, %dma_start3A_26, %dma_start3A_27] : memref<16x158x128xi32, #tpu.memory_space<hbm>> -> memref<1x158x128xi32, #tpu.memory_space<hbm>>
      %dma_start3A_29 = tpu.memref_squeeze %dma_start3A_28 : memref<1x158x128xi32, #tpu.memory_space<hbm>> -> memref<158x128xi32, #tpu.memory_space<hbm>>
      tpu.enqueue_dma source(%dma_start3A_29 : memref<158x128xi32, #tpu.memory_space<hbm>>) target(%arg8 : memref<158x128xi32, #tpu.memory_space<vmem>>) target_semaphore(%run_scoped3A : memref<!tpu.dma_semaphore, #tpu.memory_space<semaphore_mem>>)
      %dma_wait3A = arith.constant 0 : i32
      %dma_wait3A_30 = arith.constant 0 : i32
      %dma_wait3A_31 = tpu.memref_slice %arg4[%arg1, %dma_wait3A, %dma_wait3A_30] : memref<16x158x128xi32, #tpu.memory_space<hbm>> -> memref<1x158x128xi32, #tpu.memory_space<hbm>>
      %dma_wait3A_32 = tpu.memref_squeeze %dma_wait3A_31 : memref<1x158x128xi32, #tpu.memory_space<hbm>> -> memref<158x128xi32, #tpu.memory_space<hbm>>
      %dma_wait3A_33 = arith.constant 0 : i32
      %dma_wait3A_34 = arith.constant 0 : i32
      %dma_wait3A_35 = tpu.memref_slice %arg4[%arg1, %dma_wait3A_33, %dma_wait3A_34] : memref<16x158x128xi32, #tpu.memory_space<hbm>> -> memref<1x158x128xi32, #tpu.memory_space<hbm>>
      %dma_wait3A_36 = tpu.memref_squeeze %dma_wait3A_35 : memref<1x158x128xi32, #tpu.memory_space<hbm>> -> memref<158x128xi32, #tpu.memory_space<hbm>>
      tpu.wait_dma2 semaphore(%run_scoped3A : memref<!tpu.dma_semaphore, #tpu.memory_space<semaphore_mem>>) src(%dma_wait3A_36 : memref<158x128xi32, #tpu.memory_space<hbm>>) dst(%arg8 : memref<158x128xi32, #tpu.memory_space<vmem>>)
      tpu.yield
    }) : () -> ()
    %mul3A = arith.constant 632 : i32
    %mul3A_0 = arith.muli %arg1, %mul3A : i32
    %mul3A_1 = arith.constant 632 : i32
    %mul3A_2 = arith.muli %arg1, %mul3A_1 : i32
    "tpu.region"() ({
      %run_scoped3A = tpu.sem_alloc : memref<!tpu.dma_semaphore, #tpu.memory_space<semaphore_mem>>
      %dma_start3A_22 = arith.constant 0 : i32
      %dma_start3A_23 = tpu.memref_slice %arg11[%mul3A_2, %dma_start3A_22] : memref<10112x64xf32, #tpu.memory_space<vmem_shared>> -> memref<632x64xf32, #tpu.memory_space<vmem_shared>>
      %dma_start3A_24 = arith.constant 0 : i32
      %dma_start3A_25 = tpu.memref_slice %arg5[%mul3A_0, %dma_start3A_24] : memref<10112x64xf32, #tpu.memory_space<hbm>> -> memref<632x64xf32, #tpu.memory_space<hbm>>
      tpu.enqueue_dma source(%dma_start3A_25 : memref<632x64xf32, #tpu.memory_space<hbm>>) target(%dma_start3A_23 : memref<632x64xf32, #tpu.memory_space<vmem_shared>>) target_semaphore(%run_scoped3A : memref<!tpu.dma_semaphore, #tpu.memory_space<semaphore_mem>>)
      %dma_wait3A = arith.constant 0 : i32
      %dma_wait3A_26 = tpu.memref_slice %arg11[%mul3A_2, %dma_wait3A] : memref<10112x64xf32, #tpu.memory_space<vmem_shared>> -> memref<632x64xf32, #tpu.memory_space<vmem_shared>>
      %dma_wait3A_27 = arith.constant 0 : i32
      %dma_wait3A_28 = tpu.memref_slice %arg5[%mul3A_0, %dma_wait3A_27] : memref<10112x64xf32, #tpu.memory_space<hbm>> -> memref<632x64xf32, #tpu.memory_space<hbm>>
      tpu.wait_dma2 semaphore(%run_scoped3A : memref<!tpu.dma_semaphore, #tpu.memory_space<semaphore_mem>>) src(%dma_wait3A_28 : memref<632x64xf32, #tpu.memory_space<hbm>>) dst(%dma_wait3A_26 : memref<632x64xf32, #tpu.memory_space<vmem_shared>>)
      tpu.yield
    }) : () -> ()
    %barrier3A = arith.constant 0 : index
    tpu.barrier barrier_id(%barrier3A)
    %dma_start3A = arith.constant 0 : i32
    %dma_start3A_3 = arith.constant 0 : i32
    %dma_start3A_4 = tpu.memref_slice %arg7[%dma_start3A, %dma_start3A_3] : memref<158x128xi32, #tpu.memory_space<vmem>> -> memref<1x128xi32, #tpu.memory_space<vmem>>
    %dma_start3A_5 = tpu.memref_squeeze %dma_start3A_4 : memref<1x128xi32, #tpu.memory_space<vmem>> -> memref<128xi32, #tpu.memory_space<vmem>>
    %dma_start3A_6 = arith.constant 0 : i32
    %dma_start3A_7 = arith.constant 0 : i32
    %dma_start3A_8 = tpu.memref_slice %arg2[%arg0, %dma_start3A_6, %dma_start3A_7] : memref<2x10000x64xf32, #tpu.memory_space<hbm>> -> memref<1x10000x64xf32, #tpu.memory_space<hbm>>
    %dma_start3A_9 = tpu.memref_squeeze %dma_start3A_8 : memref<1x10000x64xf32, #tpu.memory_space<hbm>> -> memref<10000x64xf32, #tpu.memory_space<hbm>>
    %dma_start3A_10 = arith.constant 0 : i32
    %dma_start3A_11 = arith.constant 0 : i32
    %dma_start3A_12 = tpu.memref_slice %dma_start3A_9[%dma_start3A_10, %dma_start3A_11] : memref<10000x64xf32, #tpu.memory_space<hbm>> -> memref<10000x64xf32, #tpu.memory_space<hbm>>
    tpu.enqueue_indirect_dma source(%dma_start3A_12 : memref<10000x64xf32, #tpu.memory_space<hbm>>) target(%arg9 : memref<128x64xf32, #tpu.memory_space<vmem>>) offsets(%dma_start3A_5 : memref<128xi32, #tpu.memory_space<vmem>>) semaphore(%arg12 : memref<!tpu.dma_semaphore, #tpu.memory_space<semaphore_mem>>)
    %scan3A = arith.constant 0 : i32
    %scan3A_13 = arith.constant 79 : i32
    %scan3A_14 = arith.addi %scan3A, %scan3A_13 : i32
    %scan3A_15 = arith.constant 1 : i32
    scf.for %scan3A_22 = %scan3A to %scan3A_14 step %scan3A_15  : i32 {
      %mul3A_23 = arith.constant 2 : i32
      %mul3A_24 = arith.muli %scan3A_22, %mul3A_23 : i32
      %add3A = arith.constant 0 : i32
      %add3A_25 = arith.addi %add3A, %mul3A_24 : i32
      %dma_wait3A = arith.constant 0 : i32
      %dma_wait3A_26 = tpu.memref_slice %arg7[%add3A_25, %dma_wait3A] : memref<158x128xi32, #tpu.memory_space<vmem>> -> memref<1x128xi32, #tpu.memory_space<vmem>>
      %dma_wait3A_27 = tpu.memref_squeeze %dma_wait3A_26 : memref<1x128xi32, #tpu.memory_space<vmem>> -> memref<128xi32, #tpu.memory_space<vmem>>
      %dma_wait3A_28 = arith.constant 0 : i32
      %dma_wait3A_29 = arith.constant 0 : i32
      %dma_wait3A_30 = tpu.memref_slice %arg2[%arg0, %dma_wait3A_28, %dma_wait3A_29] : memref<2x10000x64xf32, #tpu.memory_space<hbm>> -> memref<1x10000x64xf32, #tpu.memory_space<hbm>>
      %dma_wait3A_31 = tpu.memref_squeeze %dma_wait3A_30 : memref<1x10000x64xf32, #tpu.memory_space<hbm>> -> memref<10000x64xf32, #tpu.memory_space<hbm>>
      %dma_wait3A_32 = arith.constant 0 : i32
      %dma_wait3A_33 = arith.constant 0 : i32
      %dma_wait3A_34 = tpu.memref_slice %dma_wait3A_31[%dma_wait3A_32, %dma_wait3A_33] : memref<10000x64xf32, #tpu.memory_space<hbm>> -> memref<10000x64xf32, #tpu.memory_space<hbm>>
      tpu.wait_indirect_dma semaphore(%arg12 : memref<!tpu.dma_semaphore, #tpu.memory_space<semaphore_mem>>) src(%dma_wait3A_34 : memref<10000x64xf32, #tpu.memory_space<hbm>>) dst(%arg9 : memref<128x64xf32, #tpu.memory_space<vmem>>)
      %add3A_35 = arith.constant 1 : i32
      %add3A_36 = arith.addi %add3A_25, %add3A_35 : i32
      %dma_start3A_37 = arith.constant 0 : i32
      %dma_start3A_38 = tpu.memref_slice %arg7[%add3A_36, %dma_start3A_37] : memref<158x128xi32, #tpu.memory_space<vmem>> -> memref<1x128xi32, #tpu.memory_space<vmem>>
      %dma_start3A_39 = tpu.memref_squeeze %dma_start3A_38 : memref<1x128xi32, #tpu.memory_space<vmem>> -> memref<128xi32, #tpu.memory_space<vmem>>
      %dma_start3A_40 = arith.constant 0 : i32
      %dma_start3A_41 = arith.constant 0 : i32
      %dma_start3A_42 = tpu.memref_slice %arg2[%arg0, %dma_start3A_40, %dma_start3A_41] : memref<2x10000x64xf32, #tpu.memory_space<hbm>> -> memref<1x10000x64xf32, #tpu.memory_space<hbm>>
      %dma_start3A_43 = tpu.memref_squeeze %dma_start3A_42 : memref<1x10000x64xf32, #tpu.memory_space<hbm>> -> memref<10000x64xf32, #tpu.memory_space<hbm>>
      %dma_start3A_44 = arith.constant 0 : i32
      %dma_start3A_45 = arith.constant 0 : i32
      %dma_start3A_46 = tpu.memref_slice %dma_start3A_43[%dma_start3A_44, %dma_start3A_45] : memref<10000x64xf32, #tpu.memory_space<hbm>> -> memref<10000x64xf32, #tpu.memory_space<hbm>>
      tpu.enqueue_indirect_dma source(%dma_start3A_46 : memref<10000x64xf32, #tpu.memory_space<hbm>>) target(%arg10 : memref<128x64xf32, #tpu.memory_space<vmem>>) offsets(%dma_start3A_39 : memref<128xi32, #tpu.memory_space<vmem>>) semaphore(%arg13 : memref<!tpu.dma_semaphore, #tpu.memory_space<semaphore_mem>>)
      "tpu.region"() ({
        %run_scoped3A = tpu.sem_alloc : memref<!tpu.dma_semaphore, #tpu.memory_space<semaphore_mem>>
        %dma_start3A_65 = arith.constant 0 : i32
        %dma_start3A_66 = tpu.memref_slice %arg8[%add3A_25, %dma_start3A_65] : memref<158x128xi32, #tpu.memory_space<vmem>> -> memref<1x128xi32, #tpu.memory_space<vmem>>
        %dma_start3A_67 = tpu.memref_squeeze %dma_start3A_66 : memref<1x128xi32, #tpu.memory_space<vmem>> -> memref<128xi32, #tpu.memory_space<vmem>>
        %dma_start3A_68 = arith.constant 0 : i32
        %dma_start3A_69 = arith.constant 0 : i32
        %dma_start3A_70 = tpu.memref_slice %arg11[%dma_start3A_68, %dma_start3A_69] : memref<10112x64xf32, #tpu.memory_space<vmem_shared>> -> memref<10112x64xf32, #tpu.memory_space<vmem_shared>>
        tpu.enqueue_indirect_dma source(%arg9 : memref<128x64xf32, #tpu.memory_space<vmem>>) target(%dma_start3A_70 : memref<10112x64xf32, #tpu.memory_space<vmem_shared>>) offsets(%dma_start3A_67 : memref<128xi32, #tpu.memory_space<vmem>>) semaphore(%run_scoped3A : memref<!tpu.dma_semaphore, #tpu.memory_space<semaphore_mem>>) {add = true}
        %dma_wait3A_71 = arith.constant 0 : i32
        %dma_wait3A_72 = tpu.memref_slice %arg8[%add3A_25, %dma_wait3A_71] : memref<158x128xi32, #tpu.memory_space<vmem>> -> memref<1x128xi32, #tpu.memory_space<vmem>>
        %dma_wait3A_73 = tpu.memref_squeeze %dma_wait3A_72 : memref<1x128xi32, #tpu.memory_space<vmem>> -> memref<128xi32, #tpu.memory_space<vmem>>
        %dma_wait3A_74 = arith.constant 0 : i32
        %dma_wait3A_75 = arith.constant 0 : i32
        %dma_wait3A_76 = tpu.memref_slice %arg11[%dma_wait3A_74, %dma_wait3A_75] : memref<10112x64xf32, #tpu.memory_space<vmem_shared>> -> memref<10112x64xf32, #tpu.memory_space<vmem_shared>>
        tpu.wait_indirect_dma semaphore(%run_scoped3A : memref<!tpu.dma_semaphore, #tpu.memory_space<semaphore_mem>>) src(%arg9 : memref<128x64xf32, #tpu.memory_space<vmem>>) dst(%dma_wait3A_76 : memref<10112x64xf32, #tpu.memory_space<vmem_shared>>)
        tpu.yield
      }) : () -> ()
      %add3A_47 = arith.constant 1 : i32
      %add3A_48 = arith.addi %add3A_25, %add3A_47 : i32
      %dma_wait3A_49 = arith.constant 0 : i32
      %dma_wait3A_50 = tpu.memref_slice %arg7[%add3A_48, %dma_wait3A_49] : memref<158x128xi32, #tpu.memory_space<vmem>> -> memref<1x128xi32, #tpu.memory_space<vmem>>
      %dma_wait3A_51 = tpu.memref_squeeze %dma_wait3A_50 : memref<1x128xi32, #tpu.memory_space<vmem>> -> memref<128xi32, #tpu.memory_space<vmem>>
      %dma_wait3A_52 = arith.constant 0 : i32
      %dma_wait3A_53 = arith.constant 0 : i32
      %dma_wait3A_54 = tpu.memref_slice %arg2[%arg0, %dma_wait3A_52, %dma_wait3A_53] : memref<2x10000x64xf32, #tpu.memory_space<hbm>> -> memref<1x10000x64xf32, #tpu.memory_space<hbm>>
      %dma_wait3A_55 = tpu.memref_squeeze %dma_wait3A_54 : memref<1x10000x64xf32, #tpu.memory_space<hbm>> -> memref<10000x64xf32, #tpu.memory_space<hbm>>
      %dma_wait3A_56 = arith.constant 0 : i32
      %dma_wait3A_57 = arith.constant 0 : i32
      %dma_wait3A_58 = tpu.memref_slice %dma_wait3A_55[%dma_wait3A_56, %dma_wait3A_57] : memref<10000x64xf32, #tpu.memory_space<hbm>> -> memref<10000x64xf32, #tpu.memory_space<hbm>>
      tpu.wait_indirect_dma semaphore(%arg13 : memref<!tpu.dma_semaphore, #tpu.memory_space<semaphore_mem>>) src(%dma_wait3A_58 : memref<10000x64xf32, #tpu.memory_space<hbm>>) dst(%arg10 : memref<128x64xf32, #tpu.memory_space<vmem>>)
      %add3A_59 = arith.constant 2 : i32
      %add3A_60 = arith.addi %add3A_25, %add3A_59 : i32
      %lt3A = arith.constant 158 : i32
      %lt3A_61 = arith.cmpi slt, %add3A_60, %lt3A : i32
      %convert_element_type3A = arith.extui %lt3A_61 : i1 to i32
      %cond3A = arith.constant 0 : i32
      %cond3A_62 = arith.cmpi ne, %convert_element_type3A, %cond3A : i32
      scf.if %cond3A_62 {
        %add3A_65 = arith.constant 2 : i32
        %add3A_66 = arith.addi %add3A_25, %add3A_65 : i32
        %dma_start3A_67 = arith.constant 0 : i32
        %dma_start3A_68 = tpu.memref_slice %arg7[%add3A_66, %dma_start3A_67] : memref<158x128xi32, #tpu.memory_space<vmem>> -> memref<1x128xi32, #tpu.memory_space<vmem>>
        %dma_start3A_69 = tpu.memref_squeeze %dma_start3A_68 : memref<1x128xi32, #tpu.memory_space<vmem>> -> memref<128xi32, #tpu.memory_space<vmem>>
        %dma_start3A_70 = arith.constant 0 : i32
        %dma_start3A_71 = arith.constant 0 : i32
        %dma_start3A_72 = tpu.memref_slice %arg2[%arg0, %dma_start3A_70, %dma_start3A_71] : memref<2x10000x64xf32, #tpu.memory_space<hbm>> -> memref<1x10000x64xf32, #tpu.memory_space<hbm>>
        %dma_start3A_73 = tpu.memref_squeeze %dma_start3A_72 : memref<1x10000x64xf32, #tpu.memory_space<hbm>> -> memref<10000x64xf32, #tpu.memory_space<hbm>>
        %dma_start3A_74 = arith.constant 0 : i32
        %dma_start3A_75 = arith.constant 0 : i32
        %dma_start3A_76 = tpu.memref_slice %dma_start3A_73[%dma_start3A_74, %dma_start3A_75] : memref<10000x64xf32, #tpu.memory_space<hbm>> -> memref<10000x64xf32, #tpu.memory_space<hbm>>
        tpu.enqueue_indirect_dma source(%dma_start3A_76 : memref<10000x64xf32, #tpu.memory_space<hbm>>) target(%arg9 : memref<128x64xf32, #tpu.memory_space<vmem>>) offsets(%dma_start3A_69 : memref<128xi32, #tpu.memory_space<vmem>>) semaphore(%arg12 : memref<!tpu.dma_semaphore, #tpu.memory_space<semaphore_mem>>)
      } else {
      }
      %add3A_63 = arith.constant 1 : i32
      %add3A_64 = arith.addi %add3A_25, %add3A_63 : i32
      "tpu.region"() ({
        %run_scoped3A = tpu.sem_alloc : memref<!tpu.dma_semaphore, #tpu.memory_space<semaphore_mem>>
        %dma_start3A_65 = arith.constant 0 : i32
        %dma_start3A_66 = tpu.memref_slice %arg8[%add3A_64, %dma_start3A_65] : memref<158x128xi32, #tpu.memory_space<vmem>> -> memref<1x128xi32, #tpu.memory_space<vmem>>
        %dma_start3A_67 = tpu.memref_squeeze %dma_start3A_66 : memref<1x128xi32, #tpu.memory_space<vmem>> -> memref<128xi32, #tpu.memory_space<vmem>>
        %dma_start3A_68 = arith.constant 0 : i32
        %dma_start3A_69 = arith.constant 0 : i32
        %dma_start3A_70 = tpu.memref_slice %arg11[%dma_start3A_68, %dma_start3A_69] : memref<10112x64xf32, #tpu.memory_space<vmem_shared>> -> memref<10112x64xf32, #tpu.memory_space<vmem_shared>>
        tpu.enqueue_indirect_dma source(%arg10 : memref<128x64xf32, #tpu.memory_space<vmem>>) target(%dma_start3A_70 : memref<10112x64xf32, #tpu.memory_space<vmem_shared>>) offsets(%dma_start3A_67 : memref<128xi32, #tpu.memory_space<vmem>>) semaphore(%run_scoped3A : memref<!tpu.dma_semaphore, #tpu.memory_space<semaphore_mem>>) {add = true}
        %dma_wait3A_71 = arith.constant 0 : i32
        %dma_wait3A_72 = tpu.memref_slice %arg8[%add3A_64, %dma_wait3A_71] : memref<158x128xi32, #tpu.memory_space<vmem>> -> memref<1x128xi32, #tpu.memory_space<vmem>>
        %dma_wait3A_73 = tpu.memref_squeeze %dma_wait3A_72 : memref<1x128xi32, #tpu.memory_space<vmem>> -> memref<128xi32, #tpu.memory_space<vmem>>
        %dma_wait3A_74 = arith.constant 0 : i32
        %dma_wait3A_75 = arith.constant 0 : i32
        %dma_wait3A_76 = tpu.memref_slice %arg11[%dma_wait3A_74, %dma_wait3A_75] : memref<10112x64xf32, #tpu.memory_space<vmem_shared>> -> memref<10112x64xf32, #tpu.memory_space<vmem_shared>>
        tpu.wait_indirect_dma semaphore(%run_scoped3A : memref<!tpu.dma_semaphore, #tpu.memory_space<semaphore_mem>>) src(%arg10 : memref<128x64xf32, #tpu.memory_space<vmem>>) dst(%dma_wait3A_76 : memref<10112x64xf32, #tpu.memory_space<vmem_shared>>)
        tpu.yield
      }) : () -> ()
    }
    %scan3A_16 = arith.constant 79 : i32
    %barrier3A_17 = arith.constant 0 : index
    tpu.barrier barrier_id(%barrier3A_17)
    %mul3A_18 = arith.constant 632 : i32
    %mul3A_19 = arith.muli %arg1, %mul3A_18 : i32
    %mul3A_20 = arith.constant 632 : i32
    %mul3A_21 = arith.muli %arg1, %mul3A_20 : i32
    "tpu.region"() ({
      %run_scoped3A = tpu.sem_alloc : memref<!tpu.dma_semaphore, #tpu.memory_space<semaphore_mem>>
      %dma_start3A_22 = arith.constant 0 : i32
      %dma_start3A_23 = tpu.memref_slice %arg6[%arg0, %mul3A_21, %dma_start3A_22] : memref<2x10112x64xf32, #tpu.memory_space<hbm>> -> memref<1x632x64xf32, #tpu.memory_space<hbm>>
      %dma_start3A_24 = tpu.memref_squeeze %dma_start3A_23 : memref<1x632x64xf32, #tpu.memory_space<hbm>> -> memref<632x64xf32, #tpu.memory_space<hbm>>
      %dma_start3A_25 = arith.constant 0 : i32
      %dma_start3A_26 = tpu.memref_slice %arg11[%mul3A_19, %dma_start3A_25] : memref<10112x64xf32, #tpu.memory_space<vmem_shared>> -> memref<632x64xf32, #tpu.memory_space<vmem_shared>>
      tpu.enqueue_dma source(%dma_start3A_26 : memref<632x64xf32, #tpu.memory_space<vmem_shared>>) target(%dma_start3A_24 : memref<632x64xf32, #tpu.memory_space<hbm>>) target_semaphore(%run_scoped3A : memref<!tpu.dma_semaphore, #tpu.memory_space<semaphore_mem>>)
      %dma_wait3A = arith.constant 0 : i32
      %dma_wait3A_27 = tpu.memref_slice %arg6[%arg0, %mul3A_21, %dma_wait3A] : memref<2x10112x64xf32, #tpu.memory_space<hbm>> -> memref<1x632x64xf32, #tpu.memory_space<hbm>>
      %dma_wait3A_28 = tpu.memref_squeeze %dma_wait3A_27 : memref<1x632x64xf32, #tpu.memory_space<hbm>> -> memref<632x64xf32, #tpu.memory_space<hbm>>
      %dma_wait3A_29 = arith.constant 0 : i32
      %dma_wait3A_30 = tpu.memref_slice %arg11[%mul3A_19, %dma_wait3A_29] : memref<10112x64xf32, #tpu.memory_space<vmem_shared>> -> memref<632x64xf32, #tpu.memory_space<vmem_shared>>
      tpu.wait_dma2 semaphore(%run_scoped3A : memref<!tpu.dma_semaphore, #tpu.memory_space<semaphore_mem>>) src(%dma_wait3A_30 : memref<632x64xf32, #tpu.memory_space<vmem_shared>>) dst(%dma_wait3A_28 : memref<632x64xf32, #tpu.memory_space<hbm>>)
      tpu.yield
    }) : () -> ()
    return
  }
}

#map = affine_map<(d0, d1) -> (0, 0, 0)>
#map1 = affine_map<(d0, d1) -> (0, 0)>
module attributes {stable_mosaic.version = 14 : i64} {
  func.func @_sc_degree(%arg0: i32, %arg1: i32, %arg2: memref<32x79x128xi32, #tpu.memory_space<hbm>>, %arg3: memref<10112x16xf32, #tpu.memory_space<hbm>>, %arg4: memref<2x10112x16xf32, #tpu.memory_space<hbm>>, %arg5: memref<79x128xi32, #tpu.memory_space<vmem>>, %arg6: memref<128x16xf32, #tpu.memory_space<vmem>>, %arg7: memref<10112x16xf32, #tpu.memory_space<vmem_shared>>) attributes {dimension_semantics = [#tpu.dimension_semantics<core_parallel>, #tpu.dimension_semantics<subcore_parallel>], iteration_bounds = array<i64: 2, 16>, scalar_prefetch = 0 : i64, scratch_operands = 3 : i64, tpu.core_type = #tpu.core_type<sc_vector_subcore>, window_params = [{transform_indices = #map}, {transform_indices = #map1}, {transform_indices = #map}]} {
    %mul3A = arith.constant 16 : i32
    %mul3A_0 = arith.muli %arg0, %mul3A : i32
    %add3A = arith.addi %mul3A_0, %arg1 : i32
    "tpu.region"() ({
      %run_scoped3A = tpu.sem_alloc : memref<!tpu.dma_semaphore, #tpu.memory_space<semaphore_mem>>
      %dma_start3A = arith.constant 0 : i32
      %dma_start3A_19 = arith.constant 0 : i32
      %dma_start3A_20 = tpu.memref_slice %arg2[%add3A, %dma_start3A, %dma_start3A_19] : memref<32x79x128xi32, #tpu.memory_space<hbm>> -> memref<1x79x128xi32, #tpu.memory_space<hbm>>
      %dma_start3A_21 = tpu.memref_squeeze %dma_start3A_20 : memref<1x79x128xi32, #tpu.memory_space<hbm>> -> memref<79x128xi32, #tpu.memory_space<hbm>>
      %dma_start3A_22 = arith.constant 0 : i32
      %dma_start3A_23 = arith.constant 0 : i32
      %dma_start3A_24 = tpu.memref_slice %arg2[%add3A, %dma_start3A_22, %dma_start3A_23] : memref<32x79x128xi32, #tpu.memory_space<hbm>> -> memref<1x79x128xi32, #tpu.memory_space<hbm>>
      %dma_start3A_25 = tpu.memref_squeeze %dma_start3A_24 : memref<1x79x128xi32, #tpu.memory_space<hbm>> -> memref<79x128xi32, #tpu.memory_space<hbm>>
      tpu.enqueue_dma source(%dma_start3A_25 : memref<79x128xi32, #tpu.memory_space<hbm>>) target(%arg5 : memref<79x128xi32, #tpu.memory_space<vmem>>) target_semaphore(%run_scoped3A : memref<!tpu.dma_semaphore, #tpu.memory_space<semaphore_mem>>)
      %dma_wait3A = arith.constant 0 : i32
      %dma_wait3A_26 = arith.constant 0 : i32
      %dma_wait3A_27 = tpu.memref_slice %arg2[%add3A, %dma_wait3A, %dma_wait3A_26] : memref<32x79x128xi32, #tpu.memory_space<hbm>> -> memref<1x79x128xi32, #tpu.memory_space<hbm>>
      %dma_wait3A_28 = tpu.memref_squeeze %dma_wait3A_27 : memref<1x79x128xi32, #tpu.memory_space<hbm>> -> memref<79x128xi32, #tpu.memory_space<hbm>>
      %dma_wait3A_29 = arith.constant 0 : i32
      %dma_wait3A_30 = arith.constant 0 : i32
      %dma_wait3A_31 = tpu.memref_slice %arg2[%add3A, %dma_wait3A_29, %dma_wait3A_30] : memref<32x79x128xi32, #tpu.memory_space<hbm>> -> memref<1x79x128xi32, #tpu.memory_space<hbm>>
      %dma_wait3A_32 = tpu.memref_squeeze %dma_wait3A_31 : memref<1x79x128xi32, #tpu.memory_space<hbm>> -> memref<79x128xi32, #tpu.memory_space<hbm>>
      tpu.wait_dma2 semaphore(%run_scoped3A : memref<!tpu.dma_semaphore, #tpu.memory_space<semaphore_mem>>) src(%dma_wait3A_32 : memref<79x128xi32, #tpu.memory_space<hbm>>) dst(%arg5 : memref<79x128xi32, #tpu.memory_space<vmem>>)
      tpu.yield
    }) : () -> ()
    %scan3A = arith.constant 0 : i32
    %scan3A_1 = arith.constant 128 : i32
    %scan3A_2 = arith.addi %scan3A, %scan3A_1 : i32
    %scan3A_3 = arith.constant 1 : i32
    scf.for %scan3A_19 = %scan3A to %scan3A_2 step %scan3A_3  : i32 {
      %mul3A_20 = arith.constant 1 : i32
      %mul3A_21 = arith.muli %scan3A_19, %mul3A_20 : i32
      %add3A_22 = arith.constant 0 : i32
      %add3A_23 = arith.addi %add3A_22, %mul3A_21 : i32
      %broadcast_in_dim3A = arith.constant 1.000000e+00 : f32
      %broadcast_in_dim3A_24 = vector.broadcast %broadcast_in_dim3A : f32 to vector<16xf32>
      %swap3A = arith.index_cast %add3A_23 : i32 to index
      %swap3A_25 = arith.constant 0 : index
      %swap3A_26 = tpu.vector_load %arg6[%swap3A, %swap3A_25] {strides = array<i32>} : memref<128x16xf32, #tpu.memory_space<vmem>>, vector<1x16xf32>,
      %swap3A_27 = vector.shape_cast %swap3A_26 : vector<1x16xf32> to vector<16xf32>
      %swap3A_28 = vector.shape_cast %broadcast_in_dim3A_24 : vector<16xf32> to vector<1x16xf32>
      tpu.vector_store %arg6[%swap3A, %swap3A_25], %swap3A_28 {strides = array<i32>} : memref<128x16xf32, #tpu.memory_space<vmem>>, vector<1x16xf32>,
    }
    %scan3A_4 = arith.constant 128 : i32
    %mul3A_5 = arith.constant 632 : i32
    %mul3A_6 = arith.muli %arg1, %mul3A_5 : i32
    %mul3A_7 = arith.constant 632 : i32
    %mul3A_8 = arith.muli %arg1, %mul3A_7 : i32
    "tpu.region"() ({
      %run_scoped3A = tpu.sem_alloc : memref<!tpu.dma_semaphore, #tpu.memory_space<semaphore_mem>>
      %dma_start3A = arith.constant 0 : i32
      %dma_start3A_19 = tpu.memref_slice %arg7[%mul3A_8, %dma_start3A] : memref<10112x16xf32, #tpu.memory_space<vmem_shared>> -> memref<632x16xf32, #tpu.memory_space<vmem_shared>>
      %dma_start3A_20 = arith.constant 0 : i32
      %dma_start3A_21 = tpu.memref_slice %arg3[%mul3A_6, %dma_start3A_20] : memref<10112x16xf32, #tpu.memory_space<hbm>> -> memref<632x16xf32, #tpu.memory_space<hbm>>
      tpu.enqueue_dma source(%dma_start3A_21 : memref<632x16xf32, #tpu.memory_space<hbm>>) target(%dma_start3A_19 : memref<632x16xf32, #tpu.memory_space<vmem_shared>>) target_semaphore(%run_scoped3A : memref<!tpu.dma_semaphore, #tpu.memory_space<semaphore_mem>>)
      %dma_wait3A = arith.constant 0 : i32
      %dma_wait3A_22 = tpu.memref_slice %arg7[%mul3A_8, %dma_wait3A] : memref<10112x16xf32, #tpu.memory_space<vmem_shared>> -> memref<632x16xf32, #tpu.memory_space<vmem_shared>>
      %dma_wait3A_23 = arith.constant 0 : i32
      %dma_wait3A_24 = tpu.memref_slice %arg3[%mul3A_6, %dma_wait3A_23] : memref<10112x16xf32, #tpu.memory_space<hbm>> -> memref<632x16xf32, #tpu.memory_space<hbm>>
      tpu.wait_dma2 semaphore(%run_scoped3A : memref<!tpu.dma_semaphore, #tpu.memory_space<semaphore_mem>>) src(%dma_wait3A_24 : memref<632x16xf32, #tpu.memory_space<hbm>>) dst(%dma_wait3A_22 : memref<632x16xf32, #tpu.memory_space<vmem_shared>>)
      tpu.yield
    }) : () -> ()
    %barrier3A = arith.constant 0 : index
    tpu.barrier barrier_id(%barrier3A)
    %scan3A_9 = arith.constant 0 : i32
    %scan3A_10 = arith.constant 79 : i32
    %scan3A_11 = arith.addi %scan3A_9, %scan3A_10 : i32
    %scan3A_12 = arith.constant 1 : i32
    scf.for %scan3A_19 = %scan3A_9 to %scan3A_11 step %scan3A_12  : i32 {
      %mul3A_20 = arith.constant 1 : i32
      %mul3A_21 = arith.muli %scan3A_19, %mul3A_20 : i32
      %add3A_22 = arith.constant 0 : i32
      %add3A_23 = arith.addi %add3A_22, %mul3A_21 : i32
      "tpu.region"() ({
        %run_scoped3A = tpu.sem_alloc : memref<!tpu.dma_semaphore, #tpu.memory_space<semaphore_mem>>
        %dma_start3A = arith.constant 0 : i32
        %dma_start3A_24 = tpu.memref_slice %arg5[%add3A_23, %dma_start3A] : memref<79x128xi32, #tpu.memory_space<vmem>> -> memref<1x128xi32, #tpu.memory_space<vmem>>
        %dma_start3A_25 = tpu.memref_squeeze %dma_start3A_24 : memref<1x128xi32, #tpu.memory_space<vmem>> -> memref<128xi32, #tpu.memory_space<vmem>>
        %dma_start3A_26 = arith.constant 0 : i32
        %dma_start3A_27 = arith.constant 0 : i32
        %dma_start3A_28 = tpu.memref_slice %arg7[%dma_start3A_26, %dma_start3A_27] : memref<10112x16xf32, #tpu.memory_space<vmem_shared>> -> memref<10112x16xf32, #tpu.memory_space<vmem_shared>>
        tpu.enqueue_indirect_dma source(%arg6 : memref<128x16xf32, #tpu.memory_space<vmem>>) target(%dma_start3A_28 : memref<10112x16xf32, #tpu.memory_space<vmem_shared>>) offsets(%dma_start3A_25 : memref<128xi32, #tpu.memory_space<vmem>>) semaphore(%run_scoped3A : memref<!tpu.dma_semaphore, #tpu.memory_space<semaphore_mem>>) {add = true}
        %dma_wait3A = arith.constant 0 : i32
        %dma_wait3A_29 = tpu.memref_slice %arg5[%add3A_23, %dma_wait3A] : memref<79x128xi32, #tpu.memory_space<vmem>> -> memref<1x128xi32, #tpu.memory_space<vmem>>
        %dma_wait3A_30 = tpu.memref_squeeze %dma_wait3A_29 : memref<1x128xi32, #tpu.memory_space<vmem>> -> memref<128xi32, #tpu.memory_space<vmem>>
        %dma_wait3A_31 = arith.constant 0 : i32
        %dma_wait3A_32 = arith.constant 0 : i32
        %dma_wait3A_33 = tpu.memref_slice %arg7[%dma_wait3A_31, %dma_wait3A_32] : memref<10112x16xf32, #tpu.memory_space<vmem_shared>> -> memref<10112x16xf32, #tpu.memory_space<vmem_shared>>
        tpu.wait_indirect_dma semaphore(%run_scoped3A : memref<!tpu.dma_semaphore, #tpu.memory_space<semaphore_mem>>) src(%arg6 : memref<128x16xf32, #tpu.memory_space<vmem>>) dst(%dma_wait3A_33 : memref<10112x16xf32, #tpu.memory_space<vmem_shared>>)
        tpu.yield
      }) : () -> ()
    }
    %scan3A_13 = arith.constant 79 : i32
    %barrier3A_14 = arith.constant 0 : index
    tpu.barrier barrier_id(%barrier3A_14)
    %mul3A_15 = arith.constant 632 : i32
    %mul3A_16 = arith.muli %arg1, %mul3A_15 : i32
    %mul3A_17 = arith.constant 632 : i32
    %mul3A_18 = arith.muli %arg1, %mul3A_17 : i32
    "tpu.region"() ({
      %run_scoped3A = tpu.sem_alloc : memref<!tpu.dma_semaphore, #tpu.memory_space<semaphore_mem>>
      %dma_start3A = arith.constant 0 : i32
      %dma_start3A_19 = tpu.memref_slice %arg4[%arg0, %mul3A_18, %dma_start3A] : memref<2x10112x16xf32, #tpu.memory_space<hbm>> -> memref<1x632x16xf32, #tpu.memory_space<hbm>>
      %dma_start3A_20 = tpu.memref_squeeze %dma_start3A_19 : memref<1x632x16xf32, #tpu.memory_space<hbm>> -> memref<632x16xf32, #tpu.memory_space<hbm>>
      %dma_start3A_21 = arith.constant 0 : i32
      %dma_start3A_22 = tpu.memref_slice %arg7[%mul3A_16, %dma_start3A_21] : memref<10112x16xf32, #tpu.memory_space<vmem_shared>> -> memref<632x16xf32, #tpu.memory_space<vmem_shared>>
      tpu.enqueue_dma source(%dma_start3A_22 : memref<632x16xf32, #tpu.memory_space<vmem_shared>>) target(%dma_start3A_20 : memref<632x16xf32, #tpu.memory_space<hbm>>) target_semaphore(%run_scoped3A : memref<!tpu.dma_semaphore, #tpu.memory_space<semaphore_mem>>)
      %dma_wait3A = arith.constant 0 : i32
      %dma_wait3A_23 = tpu.memref_slice %arg4[%arg0, %mul3A_18, %dma_wait3A] : memref<2x10112x16xf32, #tpu.memory_space<hbm>> -> memref<1x632x16xf32, #tpu.memory_space<hbm>>
      %dma_wait3A_24 = tpu.memref_squeeze %dma_wait3A_23 : memref<1x632x16xf32, #tpu.memory_space<hbm>> -> memref<632x16xf32, #tpu.memory_space<hbm>>
      %dma_wait3A_25 = arith.constant 0 : i32
      %dma_wait3A_26 = tpu.memref_slice %arg7[%mul3A_16, %dma_wait3A_25] : memref<10112x16xf32, #tpu.memory_space<vmem_shared>> -> memref<632x16xf32, #tpu.memory_space<vmem_shared>>
      tpu.wait_dma2 semaphore(%run_scoped3A : memref<!tpu.dma_semaphore, #tpu.memory_space<semaphore_mem>>) src(%dma_wait3A_26 : memref<632x16xf32, #tpu.memory_space<vmem_shared>>) dst(%dma_wait3A_24 : memref<632x16xf32, #tpu.memory_space<hbm>>)
      tpu.yield
    }) : () -> ()
    return
  }
}

#map = affine_map<(d0, d1) -> (0, 0, 0)>
#map1 = affine_map<(d0, d1) -> (0, 0)>
module attributes {stable_mosaic.version = 14 : i64} {
  func.func @_sc_segsum(%arg0: i32, %arg1: i32, %arg2: memref<2x10000x64xf32, #tpu.memory_space<hbm>>, %arg3: memref<16x158x128xi32, #tpu.memory_space<hbm>>, %arg4: memref<16x158x128xi32, #tpu.memory_space<hbm>>, %arg5: memref<10112x64xf32, #tpu.memory_space<hbm>>, %arg6: memref<2x10112x64xf32, #tpu.memory_space<hbm>>, %arg7: memref<158x128xi32, #tpu.memory_space<vmem>>, %arg8: memref<158x128xi32, #tpu.memory_space<vmem>>, %arg9: memref<128x64xf32, #tpu.memory_space<vmem>>, %arg10: memref<128x64xf32, #tpu.memory_space<vmem>>, %arg11: memref<10112x64xf32, #tpu.memory_space<vmem_shared>>, %arg12: memref<!tpu.dma_semaphore, #tpu.memory_space<semaphore_mem>>, %arg13: memref<!tpu.dma_semaphore, #tpu.memory_space<semaphore_mem>>) attributes {dimension_semantics = [#tpu.dimension_semantics<core_parallel>, #tpu.dimension_semantics<subcore_parallel>], iteration_bounds = array<i64: 2, 16>, scalar_prefetch = 0 : i64, scratch_operands = 7 : i64, tpu.core_type = #tpu.core_type<sc_vector_subcore>, window_params = [{transform_indices = #map}, {transform_indices = #map}, {transform_indices = #map}, {transform_indices = #map1}, {transform_indices = #map}]} {
    "tpu.region"() ({
      %run_scoped3A = tpu.sem_alloc : memref<!tpu.dma_semaphore, #tpu.memory_space<semaphore_mem>>
      %dma_start3A_22 = arith.constant 0 : i32
      %dma_start3A_23 = arith.constant 0 : i32
      %dma_start3A_24 = tpu.memref_slice %arg3[%arg1, %dma_start3A_22, %dma_start3A_23] : memref<16x158x128xi32, #tpu.memory_space<hbm>> -> memref<1x158x128xi32, #tpu.memory_space<hbm>>
      %dma_start3A_25 = tpu.memref_squeeze %dma_start3A_24 : memref<1x158x128xi32, #tpu.memory_space<hbm>> -> memref<158x128xi32, #tpu.memory_space<hbm>>
      %dma_start3A_26 = arith.constant 0 : i32
      %dma_start3A_27 = arith.constant 0 : i32
      %dma_start3A_28 = tpu.memref_slice %arg3[%arg1, %dma_start3A_26, %dma_start3A_27] : memref<16x158x128xi32, #tpu.memory_space<hbm>> -> memref<1x158x128xi32, #tpu.memory_space<hbm>>
      %dma_start3A_29 = tpu.memref_squeeze %dma_start3A_28 : memref<1x158x128xi32, #tpu.memory_space<hbm>> -> memref<158x128xi32, #tpu.memory_space<hbm>>
      tpu.enqueue_dma source(%dma_start3A_29 : memref<158x128xi32, #tpu.memory_space<hbm>>) target(%arg7 : memref<158x128xi32, #tpu.memory_space<vmem>>) target_semaphore(%run_scoped3A : memref<!tpu.dma_semaphore, #tpu.memory_space<semaphore_mem>>)
      %dma_wait3A = arith.constant 0 : i32
      %dma_wait3A_30 = arith.constant 0 : i32
      %dma_wait3A_31 = tpu.memref_slice %arg3[%arg1, %dma_wait3A, %dma_wait3A_30] : memref<16x158x128xi32, #tpu.memory_space<hbm>> -> memref<1x158x128xi32, #tpu.memory_space<hbm>>
      %dma_wait3A_32 = tpu.memref_squeeze %dma_wait3A_31 : memref<1x158x128xi32, #tpu.memory_space<hbm>> -> memref<158x128xi32, #tpu.memory_space<hbm>>
      %dma_wait3A_33 = arith.constant 0 : i32
      %dma_wait3A_34 = arith.constant 0 : i32
      %dma_wait3A_35 = tpu.memref_slice %arg3[%arg1, %dma_wait3A_33, %dma_wait3A_34] : memref<16x158x128xi32, #tpu.memory_space<hbm>> -> memref<1x158x128xi32, #tpu.memory_space<hbm>>
      %dma_wait3A_36 = tpu.memref_squeeze %dma_wait3A_35 : memref<1x158x128xi32, #tpu.memory_space<hbm>> -> memref<158x128xi32, #tpu.memory_space<hbm>>
      tpu.wait_dma2 semaphore(%run_scoped3A : memref<!tpu.dma_semaphore, #tpu.memory_space<semaphore_mem>>) src(%dma_wait3A_36 : memref<158x128xi32, #tpu.memory_space<hbm>>) dst(%arg7 : memref<158x128xi32, #tpu.memory_space<vmem>>)
      tpu.yield
    }) : () -> ()
    "tpu.region"() ({
      %run_scoped3A = tpu.sem_alloc : memref<!tpu.dma_semaphore, #tpu.memory_space<semaphore_mem>>
      %dma_start3A_22 = arith.constant 0 : i32
      %dma_start3A_23 = arith.constant 0 : i32
      %dma_start3A_24 = tpu.memref_slice %arg4[%arg1, %dma_start3A_22, %dma_start3A_23] : memref<16x158x128xi32, #tpu.memory_space<hbm>> -> memref<1x158x128xi32, #tpu.memory_space<hbm>>
      %dma_start3A_25 = tpu.memref_squeeze %dma_start3A_24 : memref<1x158x128xi32, #tpu.memory_space<hbm>> -> memref<158x128xi32, #tpu.memory_space<hbm>>
      %dma_start3A_26 = arith.constant 0 : i32
      %dma_start3A_27 = arith.constant 0 : i32
      %dma_start3A_28 = tpu.memref_slice %arg4[%arg1, %dma_start3A_26, %dma_start3A_27] : memref<16x158x128xi32, #tpu.memory_space<hbm>> -> memref<1x158x128xi32, #tpu.memory_space<hbm>>
      %dma_start3A_29 = tpu.memref_squeeze %dma_start3A_28 : memref<1x158x128xi32, #tpu.memory_space<hbm>> -> memref<158x128xi32, #tpu.memory_space<hbm>>
      tpu.enqueue_dma source(%dma_start3A_29 : memref<158x128xi32, #tpu.memory_space<hbm>>) target(%arg8 : memref<158x128xi32, #tpu.memory_space<vmem>>) target_semaphore(%run_scoped3A : memref<!tpu.dma_semaphore, #tpu.memory_space<semaphore_mem>>)
      %dma_wait3A = arith.constant 0 : i32
      %dma_wait3A_30 = arith.constant 0 : i32
      %dma_wait3A_31 = tpu.memref_slice %arg4[%arg1, %dma_wait3A, %dma_wait3A_30] : memref<16x158x128xi32, #tpu.memory_space<hbm>> -> memref<1x158x128xi32, #tpu.memory_space<hbm>>
      %dma_wait3A_32 = tpu.memref_squeeze %dma_wait3A_31 : memref<1x158x128xi32, #tpu.memory_space<hbm>> -> memref<158x128xi32, #tpu.memory_space<hbm>>
      %dma_wait3A_33 = arith.constant 0 : i32
      %dma_wait3A_34 = arith.constant 0 : i32
      %dma_wait3A_35 = tpu.memref_slice %arg4[%arg1, %dma_wait3A_33, %dma_wait3A_34] : memref<16x158x128xi32, #tpu.memory_space<hbm>> -> memref<1x158x128xi32, #tpu.memory_space<hbm>>
      %dma_wait3A_36 = tpu.memref_squeeze %dma_wait3A_35 : memref<1x158x128xi32, #tpu.memory_space<hbm>> -> memref<158x128xi32, #tpu.memory_space<hbm>>
      tpu.wait_dma2 semaphore(%run_scoped3A : memref<!tpu.dma_semaphore, #tpu.memory_space<semaphore_mem>>) src(%dma_wait3A_36 : memref<158x128xi32, #tpu.memory_space<hbm>>) dst(%arg8 : memref<158x128xi32, #tpu.memory_space<vmem>>)
      tpu.yield
    }) : () -> ()
    %mul3A = arith.constant 632 : i32
    %mul3A_0 = arith.muli %arg1, %mul3A : i32
    %mul3A_1 = arith.constant 632 : i32
    %mul3A_2 = arith.muli %arg1, %mul3A_1 : i32
    "tpu.region"() ({
      %run_scoped3A = tpu.sem_alloc : memref<!tpu.dma_semaphore, #tpu.memory_space<semaphore_mem>>
      %dma_start3A_22 = arith.constant 0 : i32
      %dma_start3A_23 = tpu.memref_slice %arg11[%mul3A_2, %dma_start3A_22] : memref<10112x64xf32, #tpu.memory_space<vmem_shared>> -> memref<632x64xf32, #tpu.memory_space<vmem_shared>>
      %dma_start3A_24 = arith.constant 0 : i32
      %dma_start3A_25 = tpu.memref_slice %arg5[%mul3A_0, %dma_start3A_24] : memref<10112x64xf32, #tpu.memory_space<hbm>> -> memref<632x64xf32, #tpu.memory_space<hbm>>
      tpu.enqueue_dma source(%dma_start3A_25 : memref<632x64xf32, #tpu.memory_space<hbm>>) target(%dma_start3A_23 : memref<632x64xf32, #tpu.memory_space<vmem_shared>>) target_semaphore(%run_scoped3A : memref<!tpu.dma_semaphore, #tpu.memory_space<semaphore_mem>>)
      %dma_wait3A = arith.constant 0 : i32
      %dma_wait3A_26 = tpu.memref_slice %arg11[%mul3A_2, %dma_wait3A] : memref<10112x64xf32, #tpu.memory_space<vmem_shared>> -> memref<632x64xf32, #tpu.memory_space<vmem_shared>>
      %dma_wait3A_27 = arith.constant 0 : i32
      %dma_wait3A_28 = tpu.memref_slice %arg5[%mul3A_0, %dma_wait3A_27] : memref<10112x64xf32, #tpu.memory_space<hbm>> -> memref<632x64xf32, #tpu.memory_space<hbm>>
      tpu.wait_dma2 semaphore(%run_scoped3A : memref<!tpu.dma_semaphore, #tpu.memory_space<semaphore_mem>>) src(%dma_wait3A_28 : memref<632x64xf32, #tpu.memory_space<hbm>>) dst(%dma_wait3A_26 : memref<632x64xf32, #tpu.memory_space<vmem_shared>>)
      tpu.yield
    }) : () -> ()
    %barrier3A = arith.constant 0 : index
    tpu.barrier barrier_id(%barrier3A)
    %dma_start3A = arith.constant 0 : i32
    %dma_start3A_3 = arith.constant 0 : i32
    %dma_start3A_4 = tpu.memref_slice %arg7[%dma_start3A, %dma_start3A_3] : memref<158x128xi32, #tpu.memory_space<vmem>> -> memref<1x128xi32, #tpu.memory_space<vmem>>
    %dma_start3A_5 = tpu.memref_squeeze %dma_start3A_4 : memref<1x128xi32, #tpu.memory_space<vmem>> -> memref<128xi32, #tpu.memory_space<vmem>>
    %dma_start3A_6 = arith.constant 0 : i32
    %dma_start3A_7 = arith.constant 0 : i32
    %dma_start3A_8 = tpu.memref_slice %arg2[%arg0, %dma_start3A_6, %dma_start3A_7] : memref<2x10000x64xf32, #tpu.memory_space<hbm>> -> memref<1x10000x64xf32, #tpu.memory_space<hbm>>
    %dma_start3A_9 = tpu.memref_squeeze %dma_start3A_8 : memref<1x10000x64xf32, #tpu.memory_space<hbm>> -> memref<10000x64xf32, #tpu.memory_space<hbm>>
    %dma_start3A_10 = arith.constant 0 : i32
    %dma_start3A_11 = arith.constant 0 : i32
    %dma_start3A_12 = tpu.memref_slice %dma_start3A_9[%dma_start3A_10, %dma_start3A_11] : memref<10000x64xf32, #tpu.memory_space<hbm>> -> memref<10000x64xf32, #tpu.memory_space<hbm>>
    tpu.enqueue_indirect_dma source(%dma_start3A_12 : memref<10000x64xf32, #tpu.memory_space<hbm>>) target(%arg9 : memref<128x64xf32, #tpu.memory_space<vmem>>) offsets(%dma_start3A_5 : memref<128xi32, #tpu.memory_space<vmem>>) semaphore(%arg12 : memref<!tpu.dma_semaphore, #tpu.memory_space<semaphore_mem>>)
    %scan3A = arith.constant 0 : i32
    %scan3A_13 = arith.constant 79 : i32
    %scan3A_14 = arith.addi %scan3A, %scan3A_13 : i32
    %scan3A_15 = arith.constant 1 : i32
    scf.for %scan3A_22 = %scan3A to %scan3A_14 step %scan3A_15  : i32 {
      %mul3A_23 = arith.constant 2 : i32
      %mul3A_24 = arith.muli %scan3A_22, %mul3A_23 : i32
      %add3A = arith.constant 0 : i32
      %add3A_25 = arith.addi %add3A, %mul3A_24 : i32
      %dma_wait3A = arith.constant 0 : i32
      %dma_wait3A_26 = tpu.memref_slice %arg7[%add3A_25, %dma_wait3A] : memref<158x128xi32, #tpu.memory_space<vmem>> -> memref<1x128xi32, #tpu.memory_space<vmem>>
      %dma_wait3A_27 = tpu.memref_squeeze %dma_wait3A_26 : memref<1x128xi32, #tpu.memory_space<vmem>> -> memref<128xi32, #tpu.memory_space<vmem>>
      %dma_wait3A_28 = arith.constant 0 : i32
      %dma_wait3A_29 = arith.constant 0 : i32
      %dma_wait3A_30 = tpu.memref_slice %arg2[%arg0, %dma_wait3A_28, %dma_wait3A_29] : memref<2x10000x64xf32, #tpu.memory_space<hbm>> -> memref<1x10000x64xf32, #tpu.memory_space<hbm>>
      %dma_wait3A_31 = tpu.memref_squeeze %dma_wait3A_30 : memref<1x10000x64xf32, #tpu.memory_space<hbm>> -> memref<10000x64xf32, #tpu.memory_space<hbm>>
      %dma_wait3A_32 = arith.constant 0 : i32
      %dma_wait3A_33 = arith.constant 0 : i32
      %dma_wait3A_34 = tpu.memref_slice %dma_wait3A_31[%dma_wait3A_32, %dma_wait3A_33] : memref<10000x64xf32, #tpu.memory_space<hbm>> -> memref<10000x64xf32, #tpu.memory_space<hbm>>
      tpu.wait_indirect_dma semaphore(%arg12 : memref<!tpu.dma_semaphore, #tpu.memory_space<semaphore_mem>>) src(%dma_wait3A_34 : memref<10000x64xf32, #tpu.memory_space<hbm>>) dst(%arg9 : memref<128x64xf32, #tpu.memory_space<vmem>>)
      %add3A_35 = arith.constant 1 : i32
      %add3A_36 = arith.addi %add3A_25, %add3A_35 : i32
      %dma_start3A_37 = arith.constant 0 : i32
      %dma_start3A_38 = tpu.memref_slice %arg7[%add3A_36, %dma_start3A_37] : memref<158x128xi32, #tpu.memory_space<vmem>> -> memref<1x128xi32, #tpu.memory_space<vmem>>
      %dma_start3A_39 = tpu.memref_squeeze %dma_start3A_38 : memref<1x128xi32, #tpu.memory_space<vmem>> -> memref<128xi32, #tpu.memory_space<vmem>>
      %dma_start3A_40 = arith.constant 0 : i32
      %dma_start3A_41 = arith.constant 0 : i32
      %dma_start3A_42 = tpu.memref_slice %arg2[%arg0, %dma_start3A_40, %dma_start3A_41] : memref<2x10000x64xf32, #tpu.memory_space<hbm>> -> memref<1x10000x64xf32, #tpu.memory_space<hbm>>
      %dma_start3A_43 = tpu.memref_squeeze %dma_start3A_42 : memref<1x10000x64xf32, #tpu.memory_space<hbm>> -> memref<10000x64xf32, #tpu.memory_space<hbm>>
      %dma_start3A_44 = arith.constant 0 : i32
      %dma_start3A_45 = arith.constant 0 : i32
      %dma_start3A_46 = tpu.memref_slice %dma_start3A_43[%dma_start3A_44, %dma_start3A_45] : memref<10000x64xf32, #tpu.memory_space<hbm>> -> memref<10000x64xf32, #tpu.memory_space<hbm>>
      tpu.enqueue_indirect_dma source(%dma_start3A_46 : memref<10000x64xf32, #tpu.memory_space<hbm>>) target(%arg10 : memref<128x64xf32, #tpu.memory_space<vmem>>) offsets(%dma_start3A_39 : memref<128xi32, #tpu.memory_space<vmem>>) semaphore(%arg13 : memref<!tpu.dma_semaphore, #tpu.memory_space<semaphore_mem>>)
      "tpu.region"() ({
        %run_scoped3A = tpu.sem_alloc : memref<!tpu.dma_semaphore, #tpu.memory_space<semaphore_mem>>
        %dma_start3A_65 = arith.constant 0 : i32
        %dma_start3A_66 = tpu.memref_slice %arg8[%add3A_25, %dma_start3A_65] : memref<158x128xi32, #tpu.memory_space<vmem>> -> memref<1x128xi32, #tpu.memory_space<vmem>>
        %dma_start3A_67 = tpu.memref_squeeze %dma_start3A_66 : memref<1x128xi32, #tpu.memory_space<vmem>> -> memref<128xi32, #tpu.memory_space<vmem>>
        %dma_start3A_68 = arith.constant 0 : i32
        %dma_start3A_69 = arith.constant 0 : i32
        %dma_start3A_70 = tpu.memref_slice %arg11[%dma_start3A_68, %dma_start3A_69] : memref<10112x64xf32, #tpu.memory_space<vmem_shared>> -> memref<10112x64xf32, #tpu.memory_space<vmem_shared>>
        tpu.enqueue_indirect_dma source(%arg9 : memref<128x64xf32, #tpu.memory_space<vmem>>) target(%dma_start3A_70 : memref<10112x64xf32, #tpu.memory_space<vmem_shared>>) offsets(%dma_start3A_67 : memref<128xi32, #tpu.memory_space<vmem>>) semaphore(%run_scoped3A : memref<!tpu.dma_semaphore, #tpu.memory_space<semaphore_mem>>) {add = true}
        %dma_wait3A_71 = arith.constant 0 : i32
        %dma_wait3A_72 = tpu.memref_slice %arg8[%add3A_25, %dma_wait3A_71] : memref<158x128xi32, #tpu.memory_space<vmem>> -> memref<1x128xi32, #tpu.memory_space<vmem>>
        %dma_wait3A_73 = tpu.memref_squeeze %dma_wait3A_72 : memref<1x128xi32, #tpu.memory_space<vmem>> -> memref<128xi32, #tpu.memory_space<vmem>>
        %dma_wait3A_74 = arith.constant 0 : i32
        %dma_wait3A_75 = arith.constant 0 : i32
        %dma_wait3A_76 = tpu.memref_slice %arg11[%dma_wait3A_74, %dma_wait3A_75] : memref<10112x64xf32, #tpu.memory_space<vmem_shared>> -> memref<10112x64xf32, #tpu.memory_space<vmem_shared>>
        tpu.wait_indirect_dma semaphore(%run_scoped3A : memref<!tpu.dma_semaphore, #tpu.memory_space<semaphore_mem>>) src(%arg9 : memref<128x64xf32, #tpu.memory_space<vmem>>) dst(%dma_wait3A_76 : memref<10112x64xf32, #tpu.memory_space<vmem_shared>>)
        tpu.yield
      }) : () -> ()
      %add3A_47 = arith.constant 1 : i32
      %add3A_48 = arith.addi %add3A_25, %add3A_47 : i32
      %dma_wait3A_49 = arith.constant 0 : i32
      %dma_wait3A_50 = tpu.memref_slice %arg7[%add3A_48, %dma_wait3A_49] : memref<158x128xi32, #tpu.memory_space<vmem>> -> memref<1x128xi32, #tpu.memory_space<vmem>>
      %dma_wait3A_51 = tpu.memref_squeeze %dma_wait3A_50 : memref<1x128xi32, #tpu.memory_space<vmem>> -> memref<128xi32, #tpu.memory_space<vmem>>
      %dma_wait3A_52 = arith.constant 0 : i32
      %dma_wait3A_53 = arith.constant 0 : i32
      %dma_wait3A_54 = tpu.memref_slice %arg2[%arg0, %dma_wait3A_52, %dma_wait3A_53] : memref<2x10000x64xf32, #tpu.memory_space<hbm>> -> memref<1x10000x64xf32, #tpu.memory_space<hbm>>
      %dma_wait3A_55 = tpu.memref_squeeze %dma_wait3A_54 : memref<1x10000x64xf32, #tpu.memory_space<hbm>> -> memref<10000x64xf32, #tpu.memory_space<hbm>>
      %dma_wait3A_56 = arith.constant 0 : i32
      %dma_wait3A_57 = arith.constant 0 : i32
      %dma_wait3A_58 = tpu.memref_slice %dma_wait3A_55[%dma_wait3A_56, %dma_wait3A_57] : memref<10000x64xf32, #tpu.memory_space<hbm>> -> memref<10000x64xf32, #tpu.memory_space<hbm>>
      tpu.wait_indirect_dma semaphore(%arg13 : memref<!tpu.dma_semaphore, #tpu.memory_space<semaphore_mem>>) src(%dma_wait3A_58 : memref<10000x64xf32, #tpu.memory_space<hbm>>) dst(%arg10 : memref<128x64xf32, #tpu.memory_space<vmem>>)
      %add3A_59 = arith.constant 2 : i32
      %add3A_60 = arith.addi %add3A_25, %add3A_59 : i32
      %lt3A = arith.constant 158 : i32
      %lt3A_61 = arith.cmpi slt, %add3A_60, %lt3A : i32
      %convert_element_type3A = arith.extui %lt3A_61 : i1 to i32
      %cond3A = arith.constant 0 : i32
      %cond3A_62 = arith.cmpi ne, %convert_element_type3A, %cond3A : i32
      scf.if %cond3A_62 {
        %add3A_65 = arith.constant 2 : i32
        %add3A_66 = arith.addi %add3A_25, %add3A_65 : i32
        %dma_start3A_67 = arith.constant 0 : i32
        %dma_start3A_68 = tpu.memref_slice %arg7[%add3A_66, %dma_start3A_67] : memref<158x128xi32, #tpu.memory_space<vmem>> -> memref<1x128xi32, #tpu.memory_space<vmem>>
        %dma_start3A_69 = tpu.memref_squeeze %dma_start3A_68 : memref<1x128xi32, #tpu.memory_space<vmem>> -> memref<128xi32, #tpu.memory_space<vmem>>
        %dma_start3A_70 = arith.constant 0 : i32
        %dma_start3A_71 = arith.constant 0 : i32
        %dma_start3A_72 = tpu.memref_slice %arg2[%arg0, %dma_start3A_70, %dma_start3A_71] : memref<2x10000x64xf32, #tpu.memory_space<hbm>> -> memref<1x10000x64xf32, #tpu.memory_space<hbm>>
        %dma_start3A_73 = tpu.memref_squeeze %dma_start3A_72 : memref<1x10000x64xf32, #tpu.memory_space<hbm>> -> memref<10000x64xf32, #tpu.memory_space<hbm>>
        %dma_start3A_74 = arith.constant 0 : i32
        %dma_start3A_75 = arith.constant 0 : i32
        %dma_start3A_76 = tpu.memref_slice %dma_start3A_73[%dma_start3A_74, %dma_start3A_75] : memref<10000x64xf32, #tpu.memory_space<hbm>> -> memref<10000x64xf32, #tpu.memory_space<hbm>>
        tpu.enqueue_indirect_dma source(%dma_start3A_76 : memref<10000x64xf32, #tpu.memory_space<hbm>>) target(%arg9 : memref<128x64xf32, #tpu.memory_space<vmem>>) offsets(%dma_start3A_69 : memref<128xi32, #tpu.memory_space<vmem>>) semaphore(%arg12 : memref<!tpu.dma_semaphore, #tpu.memory_space<semaphore_mem>>)
      } else {
      }
      %add3A_63 = arith.constant 1 : i32
      %add3A_64 = arith.addi %add3A_25, %add3A_63 : i32
      "tpu.region"() ({
        %run_scoped3A = tpu.sem_alloc : memref<!tpu.dma_semaphore, #tpu.memory_space<semaphore_mem>>
        %dma_start3A_65 = arith.constant 0 : i32
        %dma_start3A_66 = tpu.memref_slice %arg8[%add3A_64, %dma_start3A_65] : memref<158x128xi32, #tpu.memory_space<vmem>> -> memref<1x128xi32, #tpu.memory_space<vmem>>
        %dma_start3A_67 = tpu.memref_squeeze %dma_start3A_66 : memref<1x128xi32, #tpu.memory_space<vmem>> -> memref<128xi32, #tpu.memory_space<vmem>>
        %dma_start3A_68 = arith.constant 0 : i32
        %dma_start3A_69 = arith.constant 0 : i32
        %dma_start3A_70 = tpu.memref_slice %arg11[%dma_start3A_68, %dma_start3A_69] : memref<10112x64xf32, #tpu.memory_space<vmem_shared>> -> memref<10112x64xf32, #tpu.memory_space<vmem_shared>>
        tpu.enqueue_indirect_dma source(%arg10 : memref<128x64xf32, #tpu.memory_space<vmem>>) target(%dma_start3A_70 : memref<10112x64xf32, #tpu.memory_space<vmem_shared>>) offsets(%dma_start3A_67 : memref<128xi32, #tpu.memory_space<vmem>>) semaphore(%run_scoped3A : memref<!tpu.dma_semaphore, #tpu.memory_space<semaphore_mem>>) {add = true}
        %dma_wait3A_71 = arith.constant 0 : i32
        %dma_wait3A_72 = tpu.memref_slice %arg8[%add3A_64, %dma_wait3A_71] : memref<158x128xi32, #tpu.memory_space<vmem>> -> memref<1x128xi32, #tpu.memory_space<vmem>>
        %dma_wait3A_73 = tpu.memref_squeeze %dma_wait3A_72 : memref<1x128xi32, #tpu.memory_space<vmem>> -> memref<128xi32, #tpu.memory_space<vmem>>
        %dma_wait3A_74 = arith.constant 0 : i32
        %dma_wait3A_75 = arith.constant 0 : i32
        %dma_wait3A_76 = tpu.memref_slice %arg11[%dma_wait3A_74, %dma_wait3A_75] : memref<10112x64xf32, #tpu.memory_space<vmem_shared>> -> memref<10112x64xf32, #tpu.memory_space<vmem_shared>>
        tpu.wait_indirect_dma semaphore(%run_scoped3A : memref<!tpu.dma_semaphore, #tpu.memory_space<semaphore_mem>>) src(%arg10 : memref<128x64xf32, #tpu.memory_space<vmem>>) dst(%dma_wait3A_76 : memref<10112x64xf32, #tpu.memory_space<vmem_shared>>)
        tpu.yield
      }) : () -> ()
    }
    %scan3A_16 = arith.constant 79 : i32
    %barrier3A_17 = arith.constant 0 : index
    tpu.barrier barrier_id(%barrier3A_17)
    %mul3A_18 = arith.constant 632 : i32
    %mul3A_19 = arith.muli %arg1, %mul3A_18 : i32
    %mul3A_20 = arith.constant 632 : i32
    %mul3A_21 = arith.muli %arg1, %mul3A_20 : i32
    "tpu.region"() ({
      %run_scoped3A = tpu.sem_alloc : memref<!tpu.dma_semaphore, #tpu.memory_space<semaphore_mem>>
      %dma_start3A_22 = arith.constant 0 : i32
      %dma_start3A_23 = tpu.memref_slice %arg6[%arg0, %mul3A_21, %dma_start3A_22] : memref<2x10112x64xf32, #tpu.memory_space<hbm>> -> memref<1x632x64xf32, #tpu.memory_space<hbm>>
      %dma_start3A_24 = tpu.memref_squeeze %dma_start3A_23 : memref<1x632x64xf32, #tpu.memory_space<hbm>> -> memref<632x64xf32, #tpu.memory_space<hbm>>
      %dma_start3A_25 = arith.constant 0 : i32
      %dma_start3A_26 = tpu.memref_slice %arg11[%mul3A_19, %dma_start3A_25] : memref<10112x64xf32, #tpu.memory_space<vmem_shared>> -> memref<632x64xf32, #tpu.memory_space<vmem_shared>>
      tpu.enqueue_dma source(%dma_start3A_26 : memref<632x64xf32, #tpu.memory_space<vmem_shared>>) target(%dma_start3A_24 : memref<632x64xf32, #tpu.memory_space<hbm>>) target_semaphore(%run_scoped3A : memref<!tpu.dma_semaphore, #tpu.memory_space<semaphore_mem>>)
      %dma_wait3A = arith.constant 0 : i32
      %dma_wait3A_27 = tpu.memref_slice %arg6[%arg0, %mul3A_21, %dma_wait3A] : memref<2x10112x64xf32, #tpu.memory_space<hbm>> -> memref<1x632x64xf32, #tpu.memory_space<hbm>>
      %dma_wait3A_28 = tpu.memref_squeeze %dma_wait3A_27 : memref<1x632x64xf32, #tpu.memory_space<hbm>> -> memref<632x64xf32, #tpu.memory_space<hbm>>
      %dma_wait3A_29 = arith.constant 0 : i32
      %dma_wait3A_30 = tpu.memref_slice %arg11[%mul3A_19, %dma_wait3A_29] : memref<10112x64xf32, #tpu.memory_space<vmem_shared>> -> memref<632x64xf32, #tpu.memory_space<vmem_shared>>
      tpu.wait_dma2 semaphore(%run_scoped3A : memref<!tpu.dma_semaphore, #tpu.memory_space<semaphore_mem>>) src(%dma_wait3A_30 : memref<632x64xf32, #tpu.memory_space<vmem_shared>>) dst(%dma_wait3A_28 : memref<632x64xf32, #tpu.memory_space<hbm>>)
      tpu.yield
    }) : () -> ()
    return
  }
}

module attributes {stable_mosaic.version = 14 : i64} {
  func.func @_tc_pre1(%arg0: i32, %arg1: memref<2x1000x16xf32, #tpu.memory_space<vmem>>, %arg2: memref<1000x128xf32, #tpu.memory_space<vmem>>, %arg3: memref<128x128xf32, #tpu.memory_space<vmem>>, %arg4: memref<1000x128xf32, #tpu.memory_space<vmem>>, %arg5: memref<1000x16xf32, #tpu.memory_space<vmem>>, %arg6: memref<2x1000x64xf32, #tpu.memory_space<vmem>>) attributes {dimension_semantics = [#tpu.dimension_semantics<arbitrary>], iteration_bounds = array<i64: 10>, scalar_prefetch = 0 : i64, scratch_operands = 0 : i64, tpu.core_type = #tpu.core_type<tc>, window_params = [{transform_indices = @transform_0, window_bounds = array<i64: 2, 1000, 16>}, {transform_indices = @transform_1, window_bounds = array<i64: 1000, 128>}, {pipeline_mode = #tpu.pipeline_mode<synchronous>, transform_indices = @transform_2, window_bounds = array<i64: 128, 128>}, {transform_indices = @transform_3, window_bounds = array<i64: 1000, 128>}, {transform_indices = @transform_4, window_bounds = array<i64: 1000, 16>}, {transform_indices = @transform_5, window_bounds = array<i64: 2, 1000, 64>}]} {
    %get3A = arith.constant 0 : index
    %get3A_0 = arith.constant 0 : index
    %get3A_1 = arith.constant 0 : index
    %get3A_2 = vector.load %arg1[%get3A, %get3A_0, %get3A_1] : memref<2x1000x16xf32, #tpu.memory_space<vmem>>, vector<1x1000x16xf32>
    %get3A_3 = vector.shape_cast %get3A_2 : vector<1x1000x16xf32> to vector<1000x16xf32>
    %get3A_4 = arith.constant 1 : index
    %get3A_5 = arith.constant 0 : index
    %get3A_6 = arith.constant 0 : index
    %get3A_7 = vector.load %arg1[%get3A_4, %get3A_5, %get3A_6] : memref<2x1000x16xf32, #tpu.memory_space<vmem>>, vector<1x1000x16xf32>
    %get3A_8 = vector.shape_cast %get3A_7 : vector<1x1000x16xf32> to vector<1000x16xf32>
    %add3A = arith.addf %get3A_3, %get3A_8 : vector<1000x16xf32>
    %add3A_9 = arith.constant 1.000000e+00 : f32
    %add3A_10 = vector.broadcast %add3A_9 : f32 to vector<1000x16xf32>
    %add3A_11 = arith.addf %add3A, %add3A_10 : vector<1000x16xf32>
    %rsqrt3A = math.rsqrt %add3A_11 : vector<1000x16xf32>
    %swap3A = arith.constant 0 : index
    %swap3A_12 = arith.constant 0 : index
    %swap3A_13 = vector.load %arg5[%swap3A, %swap3A_12] : memref<1000x16xf32, #tpu.memory_space<vmem>>, vector<1000x16xf32>
    tpu.vector_store %arg5[%swap3A, %swap3A_12], %rsqrt3A {strides = array<i32>} : memref<1000x16xf32, #tpu.memory_space<vmem>>, vector<1000x16xf32>,
    %get3A_14 = arith.constant 0 : index
    %get3A_15 = arith.constant 0 : index
    %get3A_16 = vector.load %arg2[%get3A_14, %get3A_15] : memref<1000x128xf32, #tpu.memory_space<vmem>>, vector<1000x128xf32>
    %get3A_17 = arith.constant 0 : index
    %get3A_18 = arith.constant 0 : index
    %get3A_19 = vector.load %arg3[%get3A_17, %get3A_18] : memref<128x128xf32, #tpu.memory_space<vmem>>, vector<128x128xf32>
    %dot_general3A = arith.constant dense<0.000000e+00> : vector<1000x128xf32>
    %dot_general3A_20 = tpu.matmul %get3A_16, %get3A_19, %dot_general3A {dimension_numbers = #tpu.dot_dimension_numbers<[1], [0], [0], [1], [0, 0, 1, 1], [], []>, transpose_lhs_hint = false} : vector<1000x128xf32>, vector<128x128xf32>, vector<1000x128xf32> -> vector<1000x128xf32>
    %swap3A_21 = arith.constant 0 : index
    %swap3A_22 = arith.constant 0 : index
    %swap3A_23 = vector.load %arg4[%swap3A_21, %swap3A_22] : memref<1000x128xf32, #tpu.memory_space<vmem>>, vector<1000x128xf32>
    tpu.vector_store %arg4[%swap3A_21, %swap3A_22], %dot_general3A_20 {strides = array<i32>} : memref<1000x128xf32, #tpu.memory_space<vmem>>, vector<1000x128xf32>,
    %slice3A = vector.extract_strided_slice %rsqrt3A {offsets = [0, 0], sizes = [1000, 1], strides = [1, 1]} : vector<1000x16xf32> to vector<1000x1xf32>
    %mul3A = vector.broadcast %slice3A : vector<1000x1xf32> to vector<1000x128xf32>
    %mul3A_24 = arith.mulf %dot_general3A_20, %mul3A : vector<1000x128xf32>
    %slice3A_25 = vector.extract_strided_slice %mul3A_24 {offsets = [0, 0], sizes = [1000, 64], strides = [1, 1]} : vector<1000x128xf32> to vector<1000x64xf32>
    %swap3A_26 = arith.constant 0 : index
    %swap3A_27 = arith.constant 0 : index
    %swap3A_28 = arith.constant 0 : index
    %swap3A_29 = vector.load %arg6[%swap3A_26, %swap3A_27, %swap3A_28] : memref<2x1000x64xf32, #tpu.memory_space<vmem>>, vector<1x1000x64xf32>
    %swap3A_30 = vector.shape_cast %swap3A_29 : vector<1x1000x64xf32> to vector<1000x64xf32>
    %swap3A_31 = vector.shape_cast %slice3A_25 : vector<1000x64xf32> to vector<1x1000x64xf32>
    tpu.vector_store %arg6[%swap3A_26, %swap3A_27, %swap3A_28], %swap3A_31 {strides = array<i32>} : memref<2x1000x64xf32, #tpu.memory_space<vmem>>, vector<1x1000x64xf32>,
    %slice3A_32 = vector.extract_strided_slice %mul3A_24 {offsets = [0, 64], sizes = [1000, 64], strides = [1, 1]} : vector<1000x128xf32> to vector<1000x64xf32>
    %swap3A_33 = arith.constant 1 : index
    %swap3A_34 = arith.constant 0 : index
    %swap3A_35 = arith.constant 0 : index
    %swap3A_36 = vector.load %arg6[%swap3A_33, %swap3A_34, %swap3A_35] : memref<2x1000x64xf32, #tpu.memory_space<vmem>>, vector<1x1000x64xf32>
    %swap3A_37 = vector.shape_cast %swap3A_36 : vector<1x1000x64xf32> to vector<1000x64xf32>
    %swap3A_38 = vector.shape_cast %slice3A_32 : vector<1000x64xf32> to vector<1x1000x64xf32>
    tpu.vector_store %arg6[%swap3A_33, %swap3A_34, %swap3A_35], %swap3A_38 {strides = array<i32>} : memref<2x1000x64xf32, #tpu.memory_space<vmem>>, vector<1x1000x64xf32>,
    return
  }
  func.func @transform_0(%arg0: i32) -> (i32, i32, i32) {
    %c0_i32 = arith.constant 0 : i32
    %c0_i32_0 = arith.constant 0 : i32
    %c0_i32_1 = arith.constant 0 : i32
    return %c0_i32, %arg0, %c0_i32_0 : i32, i32, i32
  }
  func.func @transform_1(%arg0: i32) -> (i32, i32) {
    %c0_i32 = arith.constant 0 : i32
    %c0_i32_0 = arith.constant 0 : i32
    return %arg0, %c0_i32 : i32, i32
  }
  func.func @transform_2(%arg0: i32) -> (i32, i32) {
    %c0_i32 = arith.constant 0 : i32
    %c0_i32_0 = arith.constant 0 : i32
    %c0_i32_1 = arith.constant 0 : i32
    return %c0_i32, %c0_i32_0 : i32, i32
  }
  func.func @transform_3(%arg0: i32) -> (i32, i32) {
    %c0_i32 = arith.constant 0 : i32
    %c0_i32_0 = arith.constant 0 : i32
    return %arg0, %c0_i32 : i32, i32
  }
  func.func @transform_4(%arg0: i32) -> (i32, i32) {
    %c0_i32 = arith.constant 0 : i32
    %c0_i32_0 = arith.constant 0 : i32
    return %arg0, %c0_i32 : i32, i32
  }
  func.func @transform_5(%arg0: i32) -> (i32, i32, i32) {
    %c0_i32 = arith.constant 0 : i32
    %c0_i32_0 = arith.constant 0 : i32
    %c0_i32_1 = arith.constant 0 : i32
    return %c0_i32, %arg0, %c0_i32_0 : i32, i32, i32
  }
}

module attributes {stable_mosaic.version = 14 : i64} {
  func.func @_tc_post1(%arg0: i32, %arg1: memref<2x1000x64xf32, #tpu.memory_space<vmem>>, %arg2: memref<1000x128xf32, #tpu.memory_space<vmem>>, %arg3: memref<1000x16xf32, #tpu.memory_space<vmem>>, %arg4: memref<1x128xf32, #tpu.memory_space<vmem>>, %arg5: memref<1000x128xf32, #tpu.memory_space<vmem>>, %arg6: memref<8x128xf32, #tpu.memory_space<vmem>>) attributes {dimension_semantics = [#tpu.dimension_semantics<arbitrary>], iteration_bounds = array<i64: 10>, scalar_prefetch = 0 : i64, scratch_operands = 0 : i64, tpu.core_type = #tpu.core_type<tc>, window_params = [{transform_indices = @transform_0, window_bounds = array<i64: 2, 1000, 64>}, {transform_indices = @transform_1, window_bounds = array<i64: 1000, 128>}, {transform_indices = @transform_2, window_bounds = array<i64: 1000, 16>}, {pipeline_mode = #tpu.pipeline_mode<synchronous>, transform_indices = @transform_3, window_bounds = array<i64: 1, 128>}, {transform_indices = @transform_4, window_bounds = array<i64: 1000, 128>}, {pipeline_mode = #tpu.pipeline_mode<synchronous>, transform_indices = @transform_5, window_bounds = array<i64: 8, 128>}]} {
    %get3A = arith.constant 0 : index
    %get3A_0 = arith.constant 0 : index
    %get3A_1 = vector.load %arg3[%get3A, %get3A_0] : memref<1000x16xf32, #tpu.memory_space<vmem>>, vector<1000x1xf32>
    %get3A_2 = arith.constant 0 : index
    %get3A_3 = arith.constant 0 : index
    %get3A_4 = arith.constant 0 : index
    %get3A_5 = vector.load %arg1[%get3A_2, %get3A_3, %get3A_4] : memref<2x1000x64xf32, #tpu.memory_space<vmem>>, vector<1x1000x64xf32>
    %get3A_6 = vector.shape_cast %get3A_5 : vector<1x1000x64xf32> to vector<1000x64xf32>
    %get3A_7 = arith.constant 1 : index
    %get3A_8 = arith.constant 0 : index
    %get3A_9 = arith.constant 0 : index
    %get3A_10 = vector.load %arg1[%get3A_7, %get3A_8, %get3A_9] : memref<2x1000x64xf32, #tpu.memory_space<vmem>>, vector<1x1000x64xf32>
    %get3A_11 = vector.shape_cast %get3A_10 : vector<1x1000x64xf32> to vector<1000x64xf32>
    %concatenate3A = tpu.concatenate %get3A_6, %get3A_11 in 1 : vector<1000x64xf32>, vector<1000x64xf32> -> vector<1000x128xf32>
    %mul3A = vector.broadcast %get3A_1 : vector<1000x1xf32> to vector<1000x128xf32>
    %mul3A_12 = arith.mulf %mul3A, %concatenate3A : vector<1000x128xf32>
    %mul3A_13 = arith.mulf %get3A_1, %get3A_1 : vector<1000x1xf32>
    %get3A_14 = arith.constant 0 : index
    %get3A_15 = arith.constant 0 : index
    %get3A_16 = vector.load %arg2[%get3A_14, %get3A_15] : memref<1000x128xf32, #tpu.memory_space<vmem>>, vector<1000x128xf32>
    %mul3A_17 = vector.broadcast %mul3A_13 : vector<1000x1xf32> to vector<1000x128xf32>
    %mul3A_18 = arith.mulf %mul3A_17, %get3A_16 : vector<1000x128xf32>
    %add3A = arith.addf %mul3A_12, %mul3A_18 : vector<1000x128xf32>
    %get3A_19 = arith.constant 0 : index
    %get3A_20 = arith.constant 0 : index
    %get3A_21 = vector.load %arg4[%get3A_19, %get3A_20] : memref<1x128xf32, #tpu.memory_space<vmem>>, vector<1x128xf32>
    %add3A_22 = vector.broadcast %get3A_21 : vector<1x128xf32> to vector<1000x128xf32>
    %add3A_23 = arith.addf %add3A, %add3A_22 : vector<1000x128xf32>
    %swap3A = arith.constant 0 : index
    %swap3A_24 = arith.constant 0 : index
    %swap3A_25 = vector.load %arg5[%swap3A, %swap3A_24] : memref<1000x128xf32, #tpu.memory_space<vmem>>, vector<1000x128xf32>
    tpu.vector_store %arg5[%swap3A, %swap3A_24], %add3A_23 {strides = array<i32>} : memref<1000x128xf32, #tpu.memory_space<vmem>>, vector<1000x128xf32>,
    %eq3A = arith.constant 0 : i32
    %eq3A_26 = arith.cmpi eq, %arg0, %eq3A : i32
    %convert_element_type3A = arith.extui %eq3A_26 : i1 to i32
    %cond3A = arith.constant 0 : i32
    %cond3A_27 = arith.cmpi ne, %convert_element_type3A, %cond3A : i32
    scf.if %cond3A_27 {
      %broadcast_in_dim3A_47 = arith.constant 0.000000e+00 : f32
      %broadcast_in_dim3A_48 = vector.broadcast %broadcast_in_dim3A_47 : f32 to vector<8x128xf32>
      %swap3A_49 = arith.constant 0 : index
      %swap3A_50 = arith.constant 0 : index
      %swap3A_51 = vector.load %arg6[%swap3A_49, %swap3A_50] : memref<8x128xf32, #tpu.memory_space<vmem>>, vector<8x128xf32>
      tpu.vector_store %arg6[%swap3A_49, %swap3A_50], %broadcast_in_dim3A_48 {strides = array<i32>} : memref<8x128xf32, #tpu.memory_space<vmem>>, vector<8x128xf32>,
    } else {
    }
    %get3A_28 = arith.constant 0 : index
    %get3A_29 = arith.constant 0 : index
    %get3A_30 = vector.load %arg6[%get3A_28, %get3A_29] : memref<8x128xf32, #tpu.memory_space<vmem>>, vector<1x128xf32>
    %reduce_sum3A = arith.constant dense<0.000000e+00> : vector<128xf32>
    %reduce_sum3A_31 = vector.multi_reduction <add>, %add3A_23, %reduce_sum3A [0] : vector<1000x128xf32> to vector<128xf32>
    %broadcast_in_dim3A = vector.shape_cast %reduce_sum3A_31 : vector<128xf32> to vector<1x128xf32>
    %add3A_32 = arith.addf %get3A_30, %broadcast_in_dim3A : vector<1x128xf32>
    %swap3A_33 = arith.constant 0 : index
    %swap3A_34 = arith.constant 0 : index
    %swap3A_35 = vector.load %arg6[%swap3A_33, %swap3A_34] : memref<8x128xf32, #tpu.memory_space<vmem>>, vector<1x128xf32>
    tpu.vector_store %arg6[%swap3A_33, %swap3A_34], %add3A_32 {strides = array<i32>} : memref<8x128xf32, #tpu.memory_space<vmem>>, vector<1x128xf32>,
    %get3A_36 = arith.constant 1 : index
    %get3A_37 = arith.constant 0 : index
    %get3A_38 = vector.load %arg6[%get3A_36, %get3A_37] : memref<8x128xf32, #tpu.memory_space<vmem>>, vector<1x128xf32>
    %mul3A_39 = arith.mulf %add3A_23, %add3A_23 : vector<1000x128xf32>
    %reduce_sum3A_40 = arith.constant dense<0.000000e+00> : vector<128xf32>
    %reduce_sum3A_41 = vector.multi_reduction <add>, %mul3A_39, %reduce_sum3A_40 [0] : vector<1000x128xf32> to vector<128xf32>
    %broadcast_in_dim3A_42 = vector.shape_cast %reduce_sum3A_41 : vector<128xf32> to vector<1x128xf32>
    %add3A_43 = arith.addf %get3A_38, %broadcast_in_dim3A_42 : vector<1x128xf32>
    %swap3A_44 = arith.constant 1 : index
    %swap3A_45 = arith.constant 0 : index
    %swap3A_46 = vector.load %arg6[%swap3A_44, %swap3A_45] : memref<8x128xf32, #tpu.memory_space<vmem>>, vector<1x128xf32>
    tpu.vector_store %arg6[%swap3A_44, %swap3A_45], %add3A_43 {strides = array<i32>} : memref<8x128xf32, #tpu.memory_space<vmem>>, vector<1x128xf32>,
    return
  }
  func.func @transform_0(%arg0: i32) -> (i32, i32, i32) {
    %c0_i32 = arith.constant 0 : i32
    %c0_i32_0 = arith.constant 0 : i32
    %c0_i32_1 = arith.constant 0 : i32
    return %c0_i32, %arg0, %c0_i32_0 : i32, i32, i32
  }
  func.func @transform_1(%arg0: i32) -> (i32, i32) {
    %c0_i32 = arith.constant 0 : i32
    %c0_i32_0 = arith.constant 0 : i32
    return %arg0, %c0_i32 : i32, i32
  }
  func.func @transform_2(%arg0: i32) -> (i32, i32) {
    %c0_i32 = arith.constant 0 : i32
    %c0_i32_0 = arith.constant 0 : i32
    return %arg0, %c0_i32 : i32, i32
  }
  func.func @transform_3(%arg0: i32) -> (i32, i32) {
    %c0_i32 = arith.constant 0 : i32
    %c0_i32_0 = arith.constant 0 : i32
    %c0_i32_1 = arith.constant 0 : i32
    return %c0_i32, %c0_i32_0 : i32, i32
  }
  func.func @transform_4(%arg0: i32) -> (i32, i32) {
    %c0_i32 = arith.constant 0 : i32
    %c0_i32_0 = arith.constant 0 : i32
    return %arg0, %c0_i32 : i32, i32
  }
  func.func @transform_5(%arg0: i32) -> (i32, i32) {
    %c0_i32 = arith.constant 0 : i32
    %c0_i32_0 = arith.constant 0 : i32
    %c0_i32_1 = arith.constant 0 : i32
    return %c0_i32, %c0_i32_0 : i32, i32
  }
}

module attributes {stable_mosaic.version = 14 : i64} {
  func.func @_tc_mid(%arg0: i32, %arg1: memref<1000x128xf32, #tpu.memory_space<vmem>>, %arg2: memref<8x128xf32, #tpu.memory_space<vmem>>, %arg3: memref<1x128xf32, #tpu.memory_space<vmem>>, %arg4: memref<1x128xf32, #tpu.memory_space<vmem>>, %arg5: memref<128x128xf32, #tpu.memory_space<vmem>>, %arg6: memref<1000x16xf32, #tpu.memory_space<vmem>>, %arg7: memref<1000x128xf32, #tpu.memory_space<vmem>>, %arg8: memref<2x1000x64xf32, #tpu.memory_space<vmem>>) attributes {dimension_semantics = [#tpu.dimension_semantics<arbitrary>], iteration_bounds = array<i64: 10>, scalar_prefetch = 0 : i64, scratch_operands = 0 : i64, tpu.core_type = #tpu.core_type<tc>, window_params = [{transform_indices = @transform_0, window_bounds = array<i64: 1000, 128>}, {pipeline_mode = #tpu.pipeline_mode<synchronous>, transform_indices = @transform_1, window_bounds = array<i64: 8, 128>}, {pipeline_mode = #tpu.pipeline_mode<synchronous>, transform_indices = @transform_2, window_bounds = array<i64: 1, 128>}, {pipeline_mode = #tpu.pipeline_mode<synchronous>, transform_indices = @transform_3, window_bounds = array<i64: 1, 128>}, {pipeline_mode = #tpu.pipeline_mode<synchronous>, transform_indices = @transform_4, window_bounds = array<i64: 128, 128>}, {transform_indices = @transform_5, window_bounds = array<i64: 1000, 16>}, {transform_indices = @transform_6, window_bounds = array<i64: 1000, 128>}, {transform_indices = @transform_7, window_bounds = array<i64: 2, 1000, 64>}]} {
    %get3A = arith.constant 0 : index
    %get3A_0 = arith.constant 0 : index
    %get3A_1 = vector.load %arg2[%get3A, %get3A_0] : memref<8x128xf32, #tpu.memory_space<vmem>>, vector<1x128xf32>
    %mul3A = arith.constant 9.99999974E-5 : f32
    %mul3A_2 = vector.broadcast %mul3A : f32 to vector<1x128xf32>
    %mul3A_3 = arith.mulf %get3A_1, %mul3A_2 : vector<1x128xf32>
    %get3A_4 = arith.constant 1 : index
    %get3A_5 = arith.constant 0 : index
    %get3A_6 = vector.load %arg2[%get3A_4, %get3A_5] : memref<8x128xf32, #tpu.memory_space<vmem>>, vector<1x128xf32>
    %mul3A_7 = arith.constant 9.99999974E-5 : f32
    %mul3A_8 = vector.broadcast %mul3A_7 : f32 to vector<1x128xf32>
    %mul3A_9 = arith.mulf %get3A_6, %mul3A_8 : vector<1x128xf32>
    %mul3A_10 = arith.mulf %mul3A_3, %mul3A_3 : vector<1x128xf32>
    %sub3A = arith.subf %mul3A_9, %mul3A_10 : vector<1x128xf32>
    %get3A_11 = arith.constant 0 : index
    %get3A_12 = arith.constant 0 : index
    %get3A_13 = vector.load %arg1[%get3A_11, %get3A_12] : memref<1000x128xf32, #tpu.memory_space<vmem>>, vector<1000x128xf32>
    %sub3A_14 = vector.broadcast %mul3A_3 : vector<1x128xf32> to vector<1000x128xf32>
    %sub3A_15 = arith.subf %get3A_13, %sub3A_14 : vector<1000x128xf32>
    %add3A = arith.constant 9.99999974E-6 : f32
    %add3A_16 = vector.broadcast %add3A : f32 to vector<1x128xf32>
    %add3A_17 = arith.addf %sub3A, %add3A_16 : vector<1x128xf32>
    %rsqrt3A = math.rsqrt %add3A_17 : vector<1x128xf32>
    %mul3A_18 = vector.broadcast %rsqrt3A : vector<1x128xf32> to vector<1000x128xf32>
    %mul3A_19 = arith.mulf %sub3A_15, %mul3A_18 : vector<1000x128xf32>
    %get3A_20 = arith.constant 0 : index
    %get3A_21 = arith.constant 0 : index
    %get3A_22 = vector.load %arg3[%get3A_20, %get3A_21] : memref<1x128xf32, #tpu.memory_space<vmem>>, vector<1x128xf32>
    %mul3A_23 = vector.broadcast %get3A_22 : vector<1x128xf32> to vector<1000x128xf32>
    %mul3A_24 = arith.mulf %mul3A_19, %mul3A_23 : vector<1000x128xf32>
    %get3A_25 = arith.constant 0 : index
    %get3A_26 = arith.constant 0 : index
    %get3A_27 = vector.load %arg4[%get3A_25, %get3A_26] : memref<1x128xf32, #tpu.memory_space<vmem>>, vector<1x128xf32>
    %add3A_28 = vector.broadcast %get3A_27 : vector<1x128xf32> to vector<1000x128xf32>
    %add3A_29 = arith.addf %mul3A_24, %add3A_28 : vector<1000x128xf32>
    %max3A = arith.constant 0.000000e+00 : f32
    %max3A_30 = vector.broadcast %max3A : f32 to vector<1000x128xf32>
    %max3A_31 = arith.maximumf %add3A_29, %max3A_30 : vector<1000x128xf32>
    %get3A_32 = arith.constant 0 : index
    %get3A_33 = arith.constant 0 : index
    %get3A_34 = vector.load %arg5[%get3A_32, %get3A_33] : memref<128x128xf32, #tpu.memory_space<vmem>>, vector<128x128xf32>
    %dot_general3A = arith.constant dense<0.000000e+00> : vector<1000x128xf32>
    %dot_general3A_35 = tpu.matmul %max3A_31, %get3A_34, %dot_general3A {dimension_numbers = #tpu.dot_dimension_numbers<[1], [0], [0], [1], [0, 0, 1, 1], [], []>, transpose_lhs_hint = false} : vector<1000x128xf32>, vector<128x128xf32>, vector<1000x128xf32> -> vector<1000x128xf32>
    %swap3A = arith.constant 0 : index
    %swap3A_36 = arith.constant 0 : index
    %swap3A_37 = vector.load %arg7[%swap3A, %swap3A_36] : memref<1000x128xf32, #tpu.memory_space<vmem>>, vector<1000x128xf32>
    tpu.vector_store %arg7[%swap3A, %swap3A_36], %dot_general3A_35 {strides = array<i32>} : memref<1000x128xf32, #tpu.memory_space<vmem>>, vector<1000x128xf32>,
    %get3A_38 = arith.constant 0 : index
    %get3A_39 = arith.constant 0 : index
    %get3A_40 = vector.load %arg6[%get3A_38, %get3A_39] : memref<1000x16xf32, #tpu.memory_space<vmem>>, vector<1000x1xf32>
    %mul3A_41 = vector.broadcast %get3A_40 : vector<1000x1xf32> to vector<1000x128xf32>
    %mul3A_42 = arith.mulf %dot_general3A_35, %mul3A_41 : vector<1000x128xf32>
    %slice3A = vector.extract_strided_slice %mul3A_42 {offsets = [0, 0], sizes = [1000, 64], strides = [1, 1]} : vector<1000x128xf32> to vector<1000x64xf32>
    %swap3A_43 = arith.constant 0 : index
    %swap3A_44 = arith.constant 0 : index
    %swap3A_45 = arith.constant 0 : index
    %swap3A_46 = vector.load %arg8[%swap3A_43, %swap3A_44, %swap3A_45] : memref<2x1000x64xf32, #tpu.memory_space<vmem>>, vector<1x1000x64xf32>
    %swap3A_47 = vector.shape_cast %swap3A_46 : vector<1x1000x64xf32> to vector<1000x64xf32>
    %swap3A_48 = vector.shape_cast %slice3A : vector<1000x64xf32> to vector<1x1000x64xf32>
    tpu.vector_store %arg8[%swap3A_43, %swap3A_44, %swap3A_45], %swap3A_48 {strides = array<i32>} : memref<2x1000x64xf32, #tpu.memory_space<vmem>>, vector<1x1000x64xf32>,
    %slice3A_49 = vector.extract_strided_slice %mul3A_42 {offsets = [0, 64], sizes = [1000, 64], strides = [1, 1]} : vector<1000x128xf32> to vector<1000x64xf32>
    %swap3A_50 = arith.constant 1 : index
    %swap3A_51 = arith.constant 0 : index
    %swap3A_52 = arith.constant 0 : index
    %swap3A_53 = vector.load %arg8[%swap3A_50, %swap3A_51, %swap3A_52] : memref<2x1000x64xf32, #tpu.memory_space<vmem>>, vector<1x1000x64xf32>
    %swap3A_54 = vector.shape_cast %swap3A_53 : vector<1x1000x64xf32> to vector<1000x64xf32>
    %swap3A_55 = vector.shape_cast %slice3A_49 : vector<1000x64xf32> to vector<1x1000x64xf32>
    tpu.vector_store %arg8[%swap3A_50, %swap3A_51, %swap3A_52], %swap3A_55 {strides = array<i32>} : memref<2x1000x64xf32, #tpu.memory_space<vmem>>, vector<1x1000x64xf32>,
    return
  }
  func.func @transform_0(%arg0: i32) -> (i32, i32) {
    %c0_i32 = arith.constant 0 : i32
    %c0_i32_0 = arith.constant 0 : i32
    return %arg0, %c0_i32 : i32, i32
  }
  func.func @transform_1(%arg0: i32) -> (i32, i32) {
    %c0_i32 = arith.constant 0 : i32
    %c0_i32_0 = arith.constant 0 : i32
    %c0_i32_1 = arith.constant 0 : i32
    return %c0_i32, %c0_i32_0 : i32, i32
  }
  func.func @transform_2(%arg0: i32) -> (i32, i32) {
    %c0_i32 = arith.constant 0 : i32
    %c0_i32_0 = arith.constant 0 : i32
    %c0_i32_1 = arith.constant 0 : i32
    return %c0_i32, %c0_i32_0 : i32, i32
  }
  func.func @transform_3(%arg0: i32) -> (i32, i32) {
    %c0_i32 = arith.constant 0 : i32
    %c0_i32_0 = arith.constant 0 : i32
    %c0_i32_1 = arith.constant 0 : i32
    return %c0_i32, %c0_i32_0 : i32, i32
  }
  func.func @transform_4(%arg0: i32) -> (i32, i32) {
    %c0_i32 = arith.constant 0 : i32
    %c0_i32_0 = arith.constant 0 : i32
    %c0_i32_1 = arith.constant 0 : i32
    return %c0_i32, %c0_i32_0 : i32, i32
  }
  func.func @transform_5(%arg0: i32) -> (i32, i32) {
    %c0_i32 = arith.constant 0 : i32
    %c0_i32_0 = arith.constant 0 : i32
    return %arg0, %c0_i32 : i32, i32
  }
  func.func @transform_6(%arg0: i32) -> (i32, i32) {
    %c0_i32 = arith.constant 0 : i32
    %c0_i32_0 = arith.constant 0 : i32
    return %arg0, %c0_i32 : i32, i32
  }
  func.func @transform_7(%arg0: i32) -> (i32, i32, i32) {
    %c0_i32 = arith.constant 0 : i32
    %c0_i32_0 = arith.constant 0 : i32
    %c0_i32_1 = arith.constant 0 : i32
    return %c0_i32, %arg0, %c0_i32_0 : i32, i32, i32
  }
}

module attributes {stable_mosaic.version = 14 : i64} {
  func.func @_tc_post2(%arg0: i32, %arg1: memref<2x1000x64xf32, #tpu.memory_space<vmem>>, %arg2: memref<1000x128xf32, #tpu.memory_space<vmem>>, %arg3: memref<1000x16xf32, #tpu.memory_space<vmem>>, %arg4: memref<1x128xf32, #tpu.memory_space<vmem>>, %arg5: memref<1x128xf32, #tpu.memory_space<vmem>>, %arg6: memref<1x128xf32, #tpu.memory_space<vmem>>, %arg7: memref<128x128xf32, #tpu.memory_space<vmem>>, %arg8: memref<1x128xf32, #tpu.memory_space<vmem>>, %arg9: memref<1000x128xf32, #tpu.memory_space<vmem>>) attributes {dimension_semantics = [#tpu.dimension_semantics<arbitrary>], iteration_bounds = array<i64: 10>, scalar_prefetch = 0 : i64, scratch_operands = 0 : i64, tpu.core_type = #tpu.core_type<tc>, window_params = [{transform_indices = @transform_0, window_bounds = array<i64: 2, 1000, 64>}, {transform_indices = @transform_1, window_bounds = array<i64: 1000, 128>}, {transform_indices = @transform_2, window_bounds = array<i64: 1000, 16>}, {pipeline_mode = #tpu.pipeline_mode<synchronous>, transform_indices = @transform_3, window_bounds = array<i64: 1, 128>}, {pipeline_mode = #tpu.pipeline_mode<synchronous>, transform_indices = @transform_4, window_bounds = array<i64: 1, 128>}, {pipeline_mode = #tpu.pipeline_mode<synchronous>, transform_indices = @transform_5, window_bounds = array<i64: 1, 128>}, {pipeline_mode = #tpu.pipeline_mode<synchronous>, transform_indices = @transform_6, window_bounds = array<i64: 128, 128>}, {pipeline_mode = #tpu.pipeline_mode<synchronous>, transform_indices = @transform_7, window_bounds = array<i64: 1, 128>}, {transform_indices = @transform_8, window_bounds = array<i64: 1000, 128>}]} {
    %get3A = arith.constant 0 : index
    %get3A_0 = arith.constant 0 : index
    %get3A_1 = vector.load %arg3[%get3A, %get3A_0] : memref<1000x16xf32, #tpu.memory_space<vmem>>, vector<1000x1xf32>
    %get3A_2 = arith.constant 0 : index
    %get3A_3 = arith.constant 0 : index
    %get3A_4 = arith.constant 0 : index
    %get3A_5 = vector.load %arg1[%get3A_2, %get3A_3, %get3A_4] : memref<2x1000x64xf32, #tpu.memory_space<vmem>>, vector<1x1000x64xf32>
    %get3A_6 = vector.shape_cast %get3A_5 : vector<1x1000x64xf32> to vector<1000x64xf32>
    %get3A_7 = arith.constant 1 : index
    %get3A_8 = arith.constant 0 : index
    %get3A_9 = arith.constant 0 : index
    %get3A_10 = vector.load %arg1[%get3A_7, %get3A_8, %get3A_9] : memref<2x1000x64xf32, #tpu.memory_space<vmem>>, vector<1x1000x64xf32>
    %get3A_11 = vector.shape_cast %get3A_10 : vector<1x1000x64xf32> to vector<1000x64xf32>
    %concatenate3A = tpu.concatenate %get3A_6, %get3A_11 in 1 : vector<1000x64xf32>, vector<1000x64xf32> -> vector<1000x128xf32>
    %mul3A = vector.broadcast %get3A_1 : vector<1000x1xf32> to vector<1000x128xf32>
    %mul3A_12 = arith.mulf %mul3A, %concatenate3A : vector<1000x128xf32>
    %mul3A_13 = arith.mulf %get3A_1, %get3A_1 : vector<1000x1xf32>
    %get3A_14 = arith.constant 0 : index
    %get3A_15 = arith.constant 0 : index
    %get3A_16 = vector.load %arg2[%get3A_14, %get3A_15] : memref<1000x128xf32, #tpu.memory_space<vmem>>, vector<1000x128xf32>
    %mul3A_17 = vector.broadcast %mul3A_13 : vector<1000x1xf32> to vector<1000x128xf32>
    %mul3A_18 = arith.mulf %mul3A_17, %get3A_16 : vector<1000x128xf32>
    %add3A = arith.addf %mul3A_12, %mul3A_18 : vector<1000x128xf32>
    %get3A_19 = arith.constant 0 : index
    %get3A_20 = arith.constant 0 : index
    %get3A_21 = vector.load %arg4[%get3A_19, %get3A_20] : memref<1x128xf32, #tpu.memory_space<vmem>>, vector<1x128xf32>
    %add3A_22 = vector.broadcast %get3A_21 : vector<1x128xf32> to vector<1000x128xf32>
    %add3A_23 = arith.addf %add3A, %add3A_22 : vector<1000x128xf32>
    %reduce_sum3A = arith.constant dense<0.000000e+00> : vector<1000xf32>
    %reduce_sum3A_24 = vector.multi_reduction <add>, %add3A_23, %reduce_sum3A [1] : vector<1000x128xf32> to vector<1000xf32>
    %broadcast_in_dim3A = vector.shape_cast %reduce_sum3A_24 : vector<1000xf32> to vector<1000x1xf32>
    %div3A = arith.constant 1.280000e+02 : f32
    %div3A_25 = vector.broadcast %div3A : f32 to vector<1000x1xf32>
    %div3A_26 = arith.divf %broadcast_in_dim3A, %div3A_25 : vector<1000x1xf32>
    %mul3A_27 = arith.mulf %add3A_23, %add3A_23 : vector<1000x128xf32>
    %reduce_sum3A_28 = arith.constant dense<0.000000e+00> : vector<1000xf32>
    %reduce_sum3A_29 = vector.multi_reduction <add>, %mul3A_27, %reduce_sum3A_28 [1] : vector<1000x128xf32> to vector<1000xf32>
    %broadcast_in_dim3A_30 = vector.shape_cast %reduce_sum3A_29 : vector<1000xf32> to vector<1000x1xf32>
    %div3A_31 = arith.constant 1.280000e+02 : f32
    %div3A_32 = vector.broadcast %div3A_31 : f32 to vector<1000x1xf32>
    %div3A_33 = arith.divf %broadcast_in_dim3A_30, %div3A_32 : vector<1000x1xf32>
    %mul3A_34 = arith.mulf %div3A_26, %div3A_26 : vector<1000x1xf32>
    %sub3A = arith.subf %div3A_33, %mul3A_34 : vector<1000x1xf32>
    %sub3A_35 = vector.broadcast %div3A_26 : vector<1000x1xf32> to vector<1000x128xf32>
    %sub3A_36 = arith.subf %add3A_23, %sub3A_35 : vector<1000x128xf32>
    %add3A_37 = arith.constant 9.99999974E-6 : f32
    %add3A_38 = vector.broadcast %add3A_37 : f32 to vector<1000x1xf32>
    %add3A_39 = arith.addf %sub3A, %add3A_38 : vector<1000x1xf32>
    %rsqrt3A = math.rsqrt %add3A_39 : vector<1000x1xf32>
    %mul3A_40 = vector.broadcast %rsqrt3A : vector<1000x1xf32> to vector<1000x128xf32>
    %mul3A_41 = arith.mulf %sub3A_36, %mul3A_40 : vector<1000x128xf32>
    %get3A_42 = arith.constant 0 : index
    %get3A_43 = arith.constant 0 : index
    %get3A_44 = vector.load %arg5[%get3A_42, %get3A_43] : memref<1x128xf32, #tpu.memory_space<vmem>>, vector<1x128xf32>
    %mul3A_45 = vector.broadcast %get3A_44 : vector<1x128xf32> to vector<1000x128xf32>
    %mul3A_46 = arith.mulf %mul3A_41, %mul3A_45 : vector<1000x128xf32>
    %get3A_47 = arith.constant 0 : index
    %get3A_48 = arith.constant 0 : index
    %get3A_49 = vector.load %arg6[%get3A_47, %get3A_48] : memref<1x128xf32, #tpu.memory_space<vmem>>, vector<1x128xf32>
    %add3A_50 = vector.broadcast %get3A_49 : vector<1x128xf32> to vector<1000x128xf32>
    %add3A_51 = arith.addf %mul3A_46, %add3A_50 : vector<1000x128xf32>
    %max3A = arith.constant 0.000000e+00 : f32
    %max3A_52 = vector.broadcast %max3A : f32 to vector<1000x128xf32>
    %max3A_53 = arith.maximumf %add3A_51, %max3A_52 : vector<1000x128xf32>
    %get3A_54 = arith.constant 0 : index
    %get3A_55 = arith.constant 0 : index
    %get3A_56 = vector.load %arg7[%get3A_54, %get3A_55] : memref<128x128xf32, #tpu.memory_space<vmem>>, vector<128x128xf32>
    %dot_general3A = arith.constant dense<0.000000e+00> : vector<1000x128xf32>
    %dot_general3A_57 = tpu.matmul %max3A_53, %get3A_56, %dot_general3A {dimension_numbers = #tpu.dot_dimension_numbers<[1], [1], [0], [0], [0, 0, 1, 0], [], []>, transpose_lhs_hint = false} : vector<1000x128xf32>, vector<128x128xf32>, vector<1000x128xf32> -> vector<1000x128xf32>
    %get3A_58 = arith.constant 0 : index
    %get3A_59 = arith.constant 0 : index
    %get3A_60 = vector.load %arg8[%get3A_58, %get3A_59] : memref<1x128xf32, #tpu.memory_space<vmem>>, vector<1x128xf32>
    %add3A_61 = vector.broadcast %get3A_60 : vector<1x128xf32> to vector<1000x128xf32>
    %add3A_62 = arith.addf %dot_general3A_57, %add3A_61 : vector<1000x128xf32>
    %swap3A = arith.constant 0 : index
    %swap3A_63 = arith.constant 0 : index
    %swap3A_64 = vector.load %arg9[%swap3A, %swap3A_63] : memref<1000x128xf32, #tpu.memory_space<vmem>>, vector<1000x128xf32>
    tpu.vector_store %arg9[%swap3A, %swap3A_63], %add3A_62 {strides = array<i32>} : memref<1000x128xf32, #tpu.memory_space<vmem>>, vector<1000x128xf32>,
    return
  }
  func.func @transform_0(%arg0: i32) -> (i32, i32, i32) {
    %c0_i32 = arith.constant 0 : i32
    %c0_i32_0 = arith.constant 0 : i32
    %c0_i32_1 = arith.constant 0 : i32
    return %c0_i32, %arg0, %c0_i32_0 : i32, i32, i32
  }
  func.func @transform_1(%arg0: i32) -> (i32, i32) {
    %c0_i32 = arith.constant 0 : i32
    %c0_i32_0 = arith.constant 0 : i32
    return %arg0, %c0_i32 : i32, i32
  }
  func.func @transform_2(%arg0: i32) -> (i32, i32) {
    %c0_i32 = arith.constant 0 : i32
    %c0_i32_0 = arith.constant 0 : i32
    return %arg0, %c0_i32 : i32, i32
  }
  func.func @transform_3(%arg0: i32) -> (i32, i32) {
    %c0_i32 = arith.constant 0 : i32
    %c0_i32_0 = arith.constant 0 : i32
    %c0_i32_1 = arith.constant 0 : i32
    return %c0_i32, %c0_i32_0 : i32, i32
  }
  func.func @transform_4(%arg0: i32) -> (i32, i32) {
    %c0_i32 = arith.constant 0 : i32
    %c0_i32_0 = arith.constant 0 : i32
    %c0_i32_1 = arith.constant 0 : i32
    return %c0_i32, %c0_i32_0 : i32, i32
  }
  func.func @transform_5(%arg0: i32) -> (i32, i32) {
    %c0_i32 = arith.constant 0 : i32
    %c0_i32_0 = arith.constant 0 : i32
    %c0_i32_1 = arith.constant 0 : i32
    return %c0_i32, %c0_i32_0 : i32, i32
  }
  func.func @transform_6(%arg0: i32) -> (i32, i32) {
    %c0_i32 = arith.constant 0 : i32
    %c0_i32_0 = arith.constant 0 : i32
    %c0_i32_1 = arith.constant 0 : i32
    return %c0_i32, %c0_i32_0 : i32, i32
  }
  func.func @transform_7(%arg0: i32) -> (i32, i32) {
    %c0_i32 = arith.constant 0 : i32
    %c0_i32_0 = arith.constant 0 : i32
    %c0_i32_1 = arith.constant 0 : i32
    return %c0_i32, %c0_i32_0 : i32, i32
  }
  func.func @transform_8(%arg0: i32) -> (i32, i32) {
    %c0_i32 = arith.constant 0 : i32
    %c0_i32_0 = arith.constant 0 : i32
    return %arg0, %c0_i32 : i32, i32
  }
}

</mosaic_0001>

<sc_bundles>
// kernel: kernel.12.cloned.1.call-start
scs
__scs_entry_jumppad:
0x0: {  	(pc) =	sbr.rel $0x88, $3  }
0x1: {  	(tag) =	ssettag $0x0;
	lr =	simm.s32 $0x1  }
0x2: {  	[smem:$0x3F95] =	sst lr;
	_ =	strace $0xD0000000  }
0x3: {  	_ = 	snop  }
0x4: {  	_ = 	snop  }
0x5: {  	_ = 	snop  }
0x6: {  	_ = 	snop  }
0x7: {  	_ = 	snop  }
__scs_overlays_trampoline_lowered:
0x8: {  	[smem:$0x3FA4] =	sst s0  }
0x9: {  	[smem:$0x3FA5] =	sst s1  }
0xa: {  	[smem:$0x3FA6] =	sst s2  }
0xb: {  	[smem:$0x3FA7] =	sst s3  }
0xc: {  	[smem:$0x3FA8] =	sst s4  }
0xd: {  	[smem:$0x3FA9] =	sst s5  }
0xe: {  	[smem:$0x3FAA] =	sst s6  }
0xf: {  	[smem:$0x3FAB] =	sst s7  }
0x10: {  	[smem:$0x3FAC] =	sst s8  }
0x11: {  	[smem:$0x3FAD] =	sst s9;
	s0 =	simm.s32 @!p0 $0x0  }
0x12: {  	s1 =	sld [smem:$0x3F93];
	s0 =	simm.s32 @p0 $0x1  }
0x13: {  	[smem:$0x3FAE] =	sst s0;
	s0 =	simm.s32 @!p1 $0x0  }
0x14: {  	s2 =	sld [smem:$0x3F92];
	s0 =	simm.s32 @p1 $0x1  }
0x15: {  	[smem:$0x3FAF] =	sst s0;
	s0 =	simm.s32 @!p2 $0x0  }
0x16: {  	s3 =	sld [smem:$0x3FDB];
	s0 =	simm.s32 @p2 $0x1  }
0x17: {  	s4 =	simm.s32 $0x1BF5;
	[smem:$0x3FB1] =	sst s0  }
0x18: {  	s0 =	sld [smem:$0x3F94];
	_ =	swait.ge [sflag:s4], $0x0  }
0x19: {  	s7 =	sld [smem:$0x3F95]  }
0x1a: {  	s8 =	sadd.s32 $0xFFFFE003, lr  }
0x1b: {  	s9 =	sadd.s32 $0xFFFFFEF7, lr;
	s5 =	simm.s32 $0xFFFFFFFF;
	p2 =	slt.u32 s8, $0xFFFFF086  }
0x1c: {  	p1 =	slt.u32 s9, $0xF7A;
	s5 =	simm.s32 @!p2 $0x0  }
0x1d: {  	s5 =	simm.s32 @p1 $0x1;
	p0 =	seq.s32 s7, s2  }
0x1e: {  	s7 =	smul.u32 @!p0 $0xF7A, s2;
	p2 =	seq.s32 @!p0 s5, $0x0  }
0x1f: {  	s9 =	smul.u32 $0xF7A, s1;
	s8 =	simm.s32 @!p0 $0x1BF5;
	p2 =	por !p2, p0  }
0x20: {  	[sflag:s8] =	ssyncset.s32 @!p0 $0xFFFFF086;
	s6 =	sadd.s32 @!p0 s3, s7;
	s7 =	simm.s32 @!p0 $0x108  }
0x21: {  	s3 =	sadd.s32 s3, s9;
	s6 =	sadd.s32 @!p0 $0x88, s6;
	s7 =	simm.s32 @p2 $0x1082  }
0x22: {  	[simem:s7], [sflag:s8] =	dma.local @!p0 [hbm:s6], $0xF7A  }
0x23: {  	s9 =	sor.u32 $0xD0000000, s2;
	s6 =	simm.s32 $0x108;
	_ =	swait.ge @!p0 [sflag:s8], $0x0  }
0x24: {  	s3 =	sadd.s32 $0x88, s3;
	s6 =	simm.s32 @!p1 $0x1082;
	[sflag:s4] =	ssyncset.s32 $0xFFFFF086  }
0x25: {  	[simem:s6], [sflag:s4] =	dma.local [hbm:s3], $0xF7A  }
0x26: {  	[smem:$0x3F95] =	sst s1;
	(tag) =	ssettag s2;
	_ =	strace s9  }
0x27: {  	s1 =	sld [smem:$0x3FA5]  }
0x28: {  	s2 =	sld [smem:$0x3FA6]  }
0x29: {  	s4 =	sld [smem:$0x3FA8]  }
0x2a: {  	p0 =	seq.s32 s5, $0x0;
	s5 =	sld [smem:$0x3FA9]  }
0x2b: {  	s6 =	sld [smem:$0x3FAA]  }
0x2c: {  	s7 =	sld [smem:$0x3FAB]  }
0x2d: {  	s3 =	simm.s32 $0x108;
	s8 =	sld [smem:$0x3FAC]  }
0x2e: {  	s3 =	simm.s32 @!p0 $0x1082;
	s9 =	sld [smem:$0x3FAD]  }
0x2f: {  	lr =	sadd.s32 s0, s3;
	s0 =	sld [smem:$0x3FA4]  }
0x30: {  	s3 =	sld [smem:$0x3FA7]  }
0x31: {  	[smem:$0x3FB0] =	sst s10  }
0x32: {  	s10 =	sld [smem:$0x3FAE];
	_ =	sdelay $0x3  }
0x33: {  	p0 =	seq.s32 s10, $0x1;
	s10 =	sld [smem:$0x3FB0];
	_ =	sdelay $0x3  }
0x34: {  	[smem:$0x3FB0] =	sst s10  }
0x35: {  	s10 =	sld [smem:$0x3FAF];
	_ =	sdelay $0x3  }
0x36: {  	p1 =	seq.s32 s10, $0x1;
	s10 =	sld [smem:$0x3FB0];
	_ =	sdelay $0x3  }
0x37: {  	[smem:$0x3FB0] =	sst s10  }
0x38: {  	s10 =	sld [smem:$0x3FB1]  }
0x39: {  	_ = 	snop;
	(pc) =	sbr.ind lr, $3  }
0x3a: {  	_ = 	snop  }
0x3b: {  	_ = 	snop  }
0x3c: {  	p2 =	seq.s32 s10, $0x1;
	s10 =	sld [smem:$0x3FB0]  }
0x3d: {  	_ =	shalt  }
0x3e: {  	_ =	shalt  }
0x3f: {  	_ =	shalt  }
0x40: {  	_ =	shalt  }
0x41: {  	_ =	shalt  }
0x42: {  	_ =	shalt  }
0x43: {  	_ =	shalt  }
0x44: {  	_ =	shalt  }
0x45: {  	_ =	shalt  }
0x46: {  	_ =	shalt  }
0x47: {  	_ =	shalt  }
0x48: {  	_ =	shalt  }
0x49: {  	_ =	shalt  }
0x4a: {  	_ =	shalt  }
0x4b: {  	_ =	shalt  }
0x4c: {  	_ =	shalt  }
0x4d: {  	_ =	shalt  }
0x4e: {  	_ =	shalt  }
0x4f: {  	_ =	shalt  }
0x50: {  	_ =	shalt  }
0x51: {  	_ =	shalt  }
0x52: {  	_ =	shalt  }
0x53: {  	_ =	shalt  }
0x54: {  	_ =	shalt  }
0x55: {  	_ =	shalt  }
0x56: {  	_ =	shalt  }
0x57: {  	_ =	shalt  }
0x58: {  	_ =	shalt  }
0x59: {  	_ =	shalt  }
0x5a: {  	_ =	shalt  }
0x5b: {  	_ =	shalt  }
0x5c: {  	_ =	shalt  }
0x5d: {  	_ =	shalt  }
0x5e: {  	_ =	shalt  }
0x5f: {  	_ =	shalt  }
0x60: {  	_ =	shalt  }
0x61: {  	_ =	shalt  }
0x62: {  	_ =	shalt  }
0x63: {  	_ =	shalt  }
0x64: {  	_ =	shalt  }
0x65: {  	_ =	shalt  }
0x66: {  	_ =	shalt  }
0x67: {  	_ =	shalt  }
0x68: {  	_ =	shalt  }
0x69: {  	_ =	shalt  }
0x6a: {  	_ =	shalt  }
0x6b: {  	_ =	shalt  }
0x6c: {  	_ =	shalt  }
0x6d: {  	_ =	shalt  }
0x6e: {  	_ =	shalt  }
0x6f: {  	_ =	shalt  }
0x70: {  	_ =	shalt  }
0x71: {  	_ =	shalt  }
0x72: {  	_ =	shalt  }
0x73: {  	_ =	shalt  }
0x74: {  	_ =	shalt  }
0x75: {  	_ =	shalt  }
0x76: {  	_ =	shalt  }
0x77: {  	_ =	shalt  }
0x78: {  	_ =	shalt  }
0x79: {  	_ =	shalt  }
0x7a: {  	_ =	shalt  }
0x7b: {  	_ =	shalt  }
0x7c: {  	_ =	shalt  }
0x7d: {  	_ =	shalt  }
0x7e: {  	_ =	shalt  }
0x7f: {  	_ =	shalt  }
0x80: {  	_ =	shalt  }
0x81: {  	_ =	shalt  }
0x82: {  	_ =	shalt  }
0x83: {  	_ =	shalt  }
0x84: {  	_ =	shalt  }
0x85: {  	_ =	shalt  }
0x86: {  	_ =	shalt  }
0x87: {  	_ =	shalt  }
.Lfunc_end0:
.L_simem_size_0:
called_computation.1_lowered:
.L_overlay_start_0:
0x88: {  	s2 =	sld [smem:$0x3FD9]  }
0x89: {  	s3 =	sld [smem:$0x3FFE];
	_ =	sdelay $0x1  }
0x8a: {  	s1 =	srdreg.scid  }
0x8b: {  	s0 =	sand.u32 $0x1, s1  }
0x8c: {  	s17 =	sshll.u32 s0, $0xA;
	s2 =	sadd.s32 s3, s2  }
0x8d: {  	s2 =	sadd.s32 s2, s17  }
0x8e: {  	[smem:$0x3FBC] =	sst s2  }
0x8f: {  	_ = 	snop  }
0x90: {  	s2 =	sld [smem:$0x3FD0];
	(tm) =	ssettm $0x1  }
0x91: {  	s18 =	sld [smem:$0x3FFB];
	_ =	sdelay $0x3  }
0x92: {  	_ =	strace s18  }
0x93: {  	s3 =	sld [smem:$0x3FFC];
	_ =	sdelay $0x3  }
0x94: {  	_ =	strace s3  }
0x95: {  	s3 =	sld [smem:$0x3FFD];
	_ =	sdelay $0x3  }
0x96: {  	_ =	strace s3  }
0x97: {  	_ =	strace $0x8FFFFFFF  }
0x98: {  	s19 =	sld [smem:$0x3FDB];
	_ =	sdelay $0x1  }
0x99: {  	s4 =	simm.s32 $_scs_section_size  }
0x9a: {  	s5 =	simm.s32 $_size__tile_overlayer_lowered;
	s6 =	simm.s32 $_tile_overlayer_lowered  }
0x9b: {  	s22 =	simm.s32 $0x1BFF;
	s21 =	sshll.u32 s6, $0x1;
	s3 =	sadd.s32 s4, s19  }
0x9c: {  	s7 =	simm.s32 $0x0;
	s20 =	sshll.u32 s5, $0x1;
	s5 =	sadd.s32 s21, s3  }
0x9d: {  	[timem:s7], [sflag:s22] =	dma.local [hbm:s5], s20  }
0x9e: {  	_ =	swait.ge [sflag:s22], s20  }
0x9f: {  	s4 =	ssub.s32 $0x0, s20;
	[sflag:s22] =	ssyncset.done $0x0  }
0xa0: {  	[sflag:s22] =	ssyncadd.s32 s4;
	_ =	sdelay $0x1  }
0xa1: {  	s23 =	simm.s32 $0x1B8B  }
0xa2: {  	_ =	swait.ge [sflag:s23], $0x1  }
0xa3: {  	[sflag:s23] =	ssyncset.done $0x0  }
0xa4: {  	s25 =	simm.s32 $0x1B8E;
	s24 =	sld [smem:$0x3FFE];
	[sflag:s23] =	ssyncadd.s32 $0xFFFFFFFF  }
0xa5: {  	s26 =	simm.s32 $execute0_lowered;
	[smem:$0x3FD2] =	sst s25  }
0xa6: {  	s5 =	sshll.u32 s26, $0x1;
	_ =	strace $0x80000049;
	[dreg:$0x1] =	wrdreg $0xFFFFFFFF  }
0xa7: {  	s28 =	simm.s32 $_size_execute0_lowered;
	s3 =	sadd.s32 s3, s5;
	[dreg:$0x0] =	wrdreg $0x0  }
0xa8: {  	s5 =	sshll.u32 s28, $0x1;
	[dreg:$0x2] =	wrdreg s3  }
0xa9: {  	[dreg:$0x3] =	wrdreg s5  }
0xaa: {  	[dreg:$0x4] =	wrdreg $0xC0  }
0xab: {  	_ =	task [dreg:s7], $0x5FFFF  }
0xac: {  	[dreg:$0x1] =	wrdreg $0xFFFFFFFF  }
0xad: {  	[dreg:$0x0] =	wrdreg $0x60  }
0xae: {  	[dreg:$0x2] =	wrdreg s2  }
0xaf: {  	[dreg:$0x3] =	wrdreg s24  }
0xb0: {  	[dreg:$0x4] =	wrdreg $0xDE000  }
0xb1: {  	[dreg:$0x5] =	wrdreg $0x9  }
0xb2: {  	_ =	task.clear_ibuf [dreg:s7], $0x6FFFF;
	_ =	strace $0x90000049  }
0xb3: {  	s29 =	simm.s32 $0x9;
	_ =	strace $0x8000004B  }
0xb4: {  	_ =	swait.ge [sflag:s29], $0x1  }
0xb5: {  	[sflag:s29] =	ssyncadd.s32 $0xFFFFFFFF  }
0xb6: {  	_ =	strace $0x9000004B  }
0xb7: {  	_ =	sfence  }
0xb8: {  	s30 =	sld [smem:$0x0];
	_ =	sdelay $0x2  }
0xb9: {  	s31 =	sshll.u32 s1, $0xD;
	s1 =	sshrl.u32 s1, $0x2  }
0xba: {  	s3 =	sand.u32 $0x4000, s31;
	s1 =	sadd.s32 s1, s30  }
0xbb: {  	s0 =	sor.u32 s3, s0;
	s1 =	sshll.u32 s1, $0x11  }
0xbc: {  	s0 =	sor.u32 s1, s0  }
0xbd: {  	s0 =	sadd.s32 $0x8F2B, s0  }
0xbe: {  	[sflag:s0] =	ssyncadd.remote.s32 $0x1  }
0xbf: {  	_ =	sfence.sel $0xFFFF  }
0xc0: {  	[dreg:$0x0] =	wrdreg $0xFFFFFFFF;
	(pc) =	sbr.abs _section_cstart, $3  }
0xc1: {  	[dreg:$0x1] =	wrdreg $0xFFFFFFFF  }
0xc2: {  	_ =	task.clear_ibuf [dreg:s7], $0x2FFFF;
	_ =	strace $0x9FFFFFFF  }
0xc3: {  	(tm) =	ssettm $0x7FFFFFFF  }
tec
execute0_lowered:
.L_overlay_start_1:
0x0: {  	(tag) =	ssettag $0x1  }
0x1: {  	s7 =	rddreg [dreg:$0x0]  }
0x2: {  	s4 =	rddreg [dreg:$0x1]  }
0x3: {  	s2 =	rddreg [dreg:$0x2]  }
0x4: {  	s0 =	rddreg [dreg:$0x3];
	s1 =	stileid.u32  }
0x5: {  	s6 =	srdreg.scid;
	s3 =	simm.s32 $0x0;
	s14 =	simm.s32 $0x80  }
0x6: {  	s15 =	simm.s32 $0x9E00;
	s16 =	simm.s32 $0x1;
	s17 =	simm.s32 $0xBE00  }
0x7: {  	s18 =	simm.s32 $0x2;
	s19 =	simm.s32 $0x4E80;
	s20 =	simm.s32 $0x9D00  }
0x8: {  	s21 =	simm.s32 $0x9D80;
	s22 =	simm.s32 $0x0;
	s5 =	smul.u32 $0x9E0, s1  }
0x9: {  	s8 =	smul.u32 $0x9E00, s1;
	s6 =	sand.u32 $0x1, s6;
	[smem:$0x7FF] =	sst s3  }
0xa: {  	s31 =	sshll.u32 s1, $0x6;
	s9 =	smul.u32 $0x9E000, s6;
	_ =	strace $0x8000004A  }
0xb: {  	s11 =	ssub.s32 $0x2, s6;
	s30 =	smul.u32 $0x13880, s6;
	s5 =	sadd.s32 s5, s4  }
0xc: {  	s10 =	sshrl.u32 s8, $0x3;
	s12 =	sshrl.u32 s11, $0x1;
	s13 =	sadd.s32 s8, s2  }
0xd: {  	s9 =	sadd.s32 s8, s9;
	s10 =	sadd.s32 s10, s4;
	s11 =	ssub.s32 s11, s12  }
0xe: {  	s7 =	sadd.s32 s7, s30;
	s12 =	sor.u32 $0x1C03, s31;
	s13 =	sshrl.u32 s13, $0x3  }
0xf: {  	s9 =	sshrl.u32 s9, $0x3;
	s6 =	sadd.s32 $0xC600, s10;
	s10 =	simm.s32 $0x3  }
0x10: {  	s9 =	sadd.s32 s9, s4;
	s4 =	sadd.s32 $0x82E00, s5;
	s5 =	sadd.s32 $0x2800, s5  }
0x11: {  	s8 =	sadd.s32 $0x20200, s9;
	s9 =	smax.u32 s11, $0x1;
	s11 =	simm.s32 $0x4F00  }
.LBB2_1:
0x12: {  	[tilespmem:s3], [sflag:$0x3] =	stream.linear.gather [hbm4b:s4+s3], $0x4F00, $0x38;
	[tilespmem:$0x17C00] =	vst v63  }
0x13: {  	_ =	swait.ge [sflag:s10], $0x4F00  }
0x14: {  	[sflag:s10] =	ssyncset.done $0x0  }
0x15: {  	[sflag:s10] =	ssyncadd.s32 $0xFFFFB100  }
0x16: {  	[tilespmem:s11], [sflag:$0x3] =	stream.linear.gather [hbm4b:s5+s3], $0x4F00, $0x38;
	[tilespmem:$0x17C00] =	vst v63  }
0x17: {  	_ =	swait.ge [sflag:s10], $0x4F00  }
0x18: {  	[sflag:s10] =	ssyncset.done $0x0  }
0x19: {  	[sflag:s10] =	ssyncadd.s32 $0xFFFFB100  }
0x1a: {  	[spmem:s13], [sflag:s12] =	dma.local [hbm:s6], $0x13C0  }
0x1b: {  	_ =	swait.ge [sflag:s10], $0x13C0  }
0x1c: {  	[sflag:s10] =	ssyncset.done $0x0  }
0x1d: {  	[sflag:s10] =	ssyncadd.s32 $0xFFFFEC40  }
0x1e: {  	[bflag:$0x0] =	sbarrier.arrive $0xFFFF  }
0x1f: {  	[tilespmem:s15], [sflag:$0x1] =	stream.indirect.gather [hbm4b:s7+s14], $0x40, s3, s14, $0xb8;
	[tilespmem:$0x17C00] =	vst v63  }
0x20: {  	_ =	swait.ge [sflag:s16], $0x2000  }
0x21: {  	[sflag:s16] =	ssyncset.done $0x0  }
0x22: {  	s23 =	simm.s32 $0x80;
	[sflag:s16] =	ssyncadd.s32 $0xFFFFE000  }
0x23: {  	[tilespmem:s17], [sflag:$0x2] =	stream.indirect.gather [hbm4b:s7+s14], $0x40, s23, s14, $0xb8;
	[tilespmem:$0x17C00] =	vst v63  }
0x24: {  	s29 =	simm.s32 $0x4F00  }
0x25: {  	[spmem:s2] =	stream.indirect.scatter.add.f32 [tilespmem:s15], [sflag:$0x3], $0x40, s29, s14, $0xb8;
	[tilespmem:$0x17C00] =	vst v63  }
0x26: {  	_ =	swait.ge [sflag:s10], $0x2000  }
0x27: {  	[sflag:s10] =	ssyncset.done $0x0  }
0x28: {  	[sflag:s10] =	ssyncadd.s32 $0xFFFFE000  }
0x29: {  	_ =	swait.ge [sflag:s18], $0x2000  }
0x2a: {  	[sflag:s18] =	ssyncset.done $0x0  }
0x2b: {  	s30 =	simm.s32 $0x100;
	[sflag:s18] =	ssyncadd.s32 $0xFFFFE000  }
0x2c: {  	[tilespmem:s15], [sflag:$0x1] =	stream.indirect.gather [hbm4b:s7+s14], $0x40, s30, s14, $0xb8;
	[tilespmem:$0x17C00] =	vst v63  }
0x2d: {  	s31 =	simm.s32 $0x4F80  }
0x2e: {  	[spmem:s2] =	stream.indirect.scatter.add.f32 [tilespmem:s17], [sflag:$0x3], $0x40, s31, s14, $0xb8;
	[tilespmem:$0x17C00] =	vst v63  }
0x2f: {  	_ =	swait.ge [sflag:s10], $0x2000  }
0x30: {  	s23 =	simm.s32 $0x400;
	[sflag:s10] =	ssyncset.done $0x0  }
.LBB2_2:
0x31: {  	p0 =	sne.s32 s23, $0x13400  }
0x32: {  	[sflag:s10] =	ssyncadd.s32 $0xFFFFE000;
	s24 =	smov.u32 s23;
	s23 =	sadd.s32 $0x400, s23  }
0x33: {  	_ = 	snop  }
0x34: {  	_ =	swait.ge [sflag:s16], $0x2000  }
0x35: {  	s24 =	sshra.s32 s24, $0x2;
	[sflag:s16] =	ssyncset.done $0x0  }
0x36: {  	s25 =	sadd.s32 $0x80, s24;
	[sflag:s16] =	ssyncadd.s32 $0xFFFFE000  }
0x37: {  	[tilespmem:s17], [sflag:$0x2] =	stream.indirect.gather [hbm4b:s7+s14], $0x40, s25, s14, $0xb8;
	[tilespmem:$0x17C00] =	vst v63  }
0x38: {  	s25 =	sadd.s32 $0x4F00, s24  }
0x39: {  	[spmem:s2] =	stream.indirect.scatter.add.f32 [tilespmem:s15], [sflag:$0x3], $0x40, s25, s14, $0xb8;
	[tilespmem:$0x17C00] =	vst v63  }
0x3a: {  	_ =	swait.ge [sflag:s10], $0x2000  }
0x3b: {  	[sflag:s10] =	ssyncset.done $0x0  }
0x3c: {  	[sflag:s10] =	ssyncadd.s32 $0xFFFFE000  }
0x3d: {  	_ =	swait.ge [sflag:s18], $0x2000  }
0x3e: {  	[sflag:s18] =	ssyncset.done $0x0  }
0x3f: {  	s25 =	sadd.s32 $0x100, s24;
	[sflag:s18] =	ssyncadd.s32 $0xFFFFE000  }
0x40: {  	[tilespmem:s15], [sflag:$0x1] =	stream.indirect.gather [hbm4b:s7+s14], $0x40, s25, s14, $0xb8;
	[tilespmem:$0x17C00] =	vst v63  }
.Ltmp0:
0x41: {  	_ = 	snop;
	(pc) =	sbr.rel @p0 .LBB2_2-.Ltmp0, $4  }
0x42: {  	s24 =	sadd.s32 $0x4F80, s24  }
0x43: {  	[spmem:s2] =	stream.indirect.scatter.add.f32 [tilespmem:s17], [sflag:$0x3], $0x40, s24, s14, $0xb8;
	[tilespmem:$0x17C00] =	vst v63  }
0x44: {  	_ =	swait.ge [sflag:s10], $0x2000  }
0x45: {  	[sflag:s10] =	ssyncset.done $0x0  }
0x46: {  	[sflag:s10] =	ssyncadd.s32 $0xFFFFE000  }
0x47: {  	_ =	swait.ge [sflag:s16], $0x2000  }
0x48: {  	[sflag:s16] =	ssyncset.done $0x0  }
0x49: {  	[sflag:s16] =	ssyncadd.s32 $0xFFFFE000  }
0x4a: {  	[tilespmem:s17], [sflag:$0x2] =	stream.indirect.gather [hbm4b:s7+s14], $0x40, s19, s14, $0xb8;
	[tilespmem:$0x17C00] =	vst v63  }
0x4b: {  	_ = 	snop  }
0x4c: {  	[spmem:s2] =	stream.indirect.scatter.add.f32 [tilespmem:s15], [sflag:$0x3], $0x40, s20, s14, $0xb8;
	[tilespmem:$0x17C00] =	vst v63  }
0x4d: {  	_ =	swait.ge [sflag:s10], $0x2000  }
0x4e: {  	[sflag:s10] =	ssyncset.done $0x0  }
0x4f: {  	[sflag:s10] =	ssyncadd.s32 $0xFFFFE000  }
0x50: {  	_ =	swait.ge [sflag:s18], $0x2000  }
0x51: {  	[sflag:s18] =	ssyncset.done $0x0  }
0x52: {  	[sflag:s18] =	ssyncadd.s32 $0xFFFFE000  }
0x53: {  	[spmem:s2] =	stream.indirect.scatter.add.f32 [tilespmem:s17], [sflag:$0x3], $0x40, s21, s14, $0xb8;
	[tilespmem:$0x17C00] =	vst v63  }
0x54: {  	_ =	swait.ge [sflag:s10], $0x2000  }
0x55: {  	s22 =	sadd.s32 $0x1, s22;
	[sflag:s10] =	ssyncset.done $0x0  }
0x56: {  	p0 =	sne.s32 s22, s9;
	[sflag:s10] =	ssyncadd.s32 $0xFFFFE000  }
.Ltmp1:
0x57: {  	[bflag:$0x0] =	sbarrier.arrive $0xFFFF;
	(pc) =	sbr.rel @p0 .LBB2_1-.Ltmp1, $4  }
0x58: {  	[hbm:s8], [sflag:s12] =	dma.local [spmem:s13], $0x13C0  }
0x59: {  	_ =	swait.ge [sflag:s10], $0x13C0  }
0x5a: {  	[sflag:s10] =	ssyncset.done $0x0  }
0x5b: {  	[sflag:s10] =	ssyncadd.s32 $0xFFFFEC40  }
0x5c: {  	_ =	sfence.sel $0x180000  }
0x5d: {  	[bflag:$0x0] =	sbarrier.arrive $0xFFFF  }
0x5e: {  	p0 =	sne.s32 s1, $0x0;
	_ =	strace $0x9000004A  }
0x5f: {  	s0 =	sadd.s32 @!p0 $0x100000, s0;
	[bflag:$0x2] =	sbarrier.arrive $0xFFFF  }
0x60: {  	[sflag:s0] =	ssyncadd.tile.s32 @!p0 $0x1;
	_ =	shalt  }
.Lfunc_end2:
_tile_overlayer_lowered:
.L_overlay_start_2:
0x61: {  	(tag) =	ssettag $0x2  }
0x62: {  	s0 =	rddreg [dreg:$0x0];
	s2 =	stileid.u32  }
0x63: {  	s1 =	rddreg [dreg:$0x1];
	p0 =	sne.s32 s2, $0x0  }
0x64: {  	s3 =	rddreg [dreg:$0x2];
	[bflag:$0x3] =	sbarrier.arrive $0xFFFF;
	s2 =	simm.s32 @!p0 $0x1C03  }
0x65: {  	[timem:s3], [sflag:s2] =	dma.local @!p0 [hbm:s0], s1  }
0x66: {  	s0 =	simm.s32 @!p0 $0x3  }
0x67: {  	_ =	swait.ge @!p0 [sflag:s0], s1  }
0x68: {  	s1 =	ssub.s32 @!p0 $0x0, s1;
	[sflag:s0] =	ssyncset.done @!p0 $0x0  }
0x69: {  	[sflag:s0] =	ssyncadd.s32 @!p0 s1  }
0x6a: {  	[bflag:$0x3] =	sbarrier.arrive $0xFFFF  }
0x6b: {  	_ =	shalt  }

// kernel: kernel.15.cloned.1.call-start
scs
__scs_entry_jumppad:
0x0: {  	(pc) =	sbr.rel $0x88, $3  }
0x1: {  	(tag) =	ssettag $0x0;
	lr =	simm.s32 $0x1  }
0x2: {  	[smem:$0x3F95] =	sst lr;
	_ =	strace $0xD0000000  }
0x3: {  	_ = 	snop  }
0x4: {  	_ = 	snop  }
0x5: {  	_ = 	snop  }
0x6: {  	_ = 	snop  }
0x7: {  	_ = 	snop  }
__scs_overlays_trampoline_lowered:
0x8: {  	[smem:$0x3FA4] =	sst s0  }
0x9: {  	[smem:$0x3FA5] =	sst s1  }
0xa: {  	[smem:$0x3FA6] =	sst s2  }
0xb: {  	[smem:$0x3FA7] =	sst s3  }
0xc: {  	[smem:$0x3FA8] =	sst s4  }
0xd: {  	[smem:$0x3FA9] =	sst s5  }
0xe: {  	[smem:$0x3FAA] =	sst s6  }
0xf: {  	[smem:$0x3FAB] =	sst s7  }
0x10: {  	[smem:$0x3FAC] =	sst s8  }
0x11: {  	[smem:$0x3FAD] =	sst s9;
	s0 =	simm.s32 @!p0 $0x0  }
0x12: {  	s1 =	sld [smem:$0x3F93];
	s0 =	simm.s32 @p0 $0x1  }
0x13: {  	[smem:$0x3FAE] =	sst s0;
	s0 =	simm.s32 @!p1 $0x0  }
0x14: {  	s2 =	sld [smem:$0x3F92];
	s0 =	simm.s32 @p1 $0x1  }
0x15: {  	[smem:$0x3FAF] =	sst s0;
	s0 =	simm.s32 @!p2 $0x0  }
0x16: {  	s3 =	sld [smem:$0x3FDB];
	s0 =	simm.s32 @p2 $0x1  }
0x17: {  	s4 =	simm.s32 $0x1BF5;
	[smem:$0x3FB1] =	sst s0  }
0x18: {  	s0 =	sld [smem:$0x3F94];
	_ =	swait.ge [sflag:s4], $0x0  }
0x19: {  	s7 =	sld [smem:$0x3F95]  }
0x1a: {  	s8 =	sadd.s32 $0xFFFFE003, lr  }
0x1b: {  	s9 =	sadd.s32 $0xFFFFFEF7, lr;
	s5 =	simm.s32 $0xFFFFFFFF;
	p2 =	slt.u32 s8, $0xFFFFF086  }
0x1c: {  	p1 =	slt.u32 s9, $0xF7A;
	s5 =	simm.s32 @!p2 $0x0  }
0x1d: {  	s5 =	simm.s32 @p1 $0x1;
	p0 =	seq.s32 s7, s2  }
0x1e: {  	s7 =	smul.u32 @!p0 $0xF7A, s2;
	p2 =	seq.s32 @!p0 s5, $0x0  }
0x1f: {  	s9 =	smul.u32 $0xF7A, s1;
	s8 =	simm.s32 @!p0 $0x1BF5;
	p2 =	por !p2, p0  }
0x20: {  	[sflag:s8] =	ssyncset.s32 @!p0 $0xFFFFF086;
	s6 =	sadd.s32 @!p0 s3, s7;
	s7 =	simm.s32 @!p0 $0x108  }
0x21: {  	s3 =	sadd.s32 s3, s9;
	s6 =	sadd.s32 @!p0 $0x88, s6;
	s7 =	simm.s32 @p2 $0x1082  }
0x22: {  	[simem:s7], [sflag:s8] =	dma.local @!p0 [hbm:s6], $0xF7A  }
0x23: {  	s9 =	sor.u32 $0xD0000000, s2;
	s6 =	simm.s32 $0x108;
	_ =	swait.ge @!p0 [sflag:s8], $0x0  }
0x24: {  	s3 =	sadd.s32 $0x88, s3;
	s6 =	simm.s32 @!p1 $0x1082;
	[sflag:s4] =	ssyncset.s32 $0xFFFFF086  }
0x25: {  	[simem:s6], [sflag:s4] =	dma.local [hbm:s3], $0xF7A  }
0x26: {  	[smem:$0x3F95] =	sst s1;
	(tag) =	ssettag s2;
	_ =	strace s9  }
0x27: {  	s1 =	sld [smem:$0x3FA5]  }
0x28: {  	s2 =	sld [smem:$0x3FA6]  }
0x29: {  	s4 =	sld [smem:$0x3FA8]  }
0x2a: {  	p0 =	seq.s32 s5, $0x0;
	s5 =	sld [smem:$0x3FA9]  }
0x2b: {  	s6 =	sld [smem:$0x3FAA]  }
0x2c: {  	s7 =	sld [smem:$0x3FAB]  }
0x2d: {  	s3 =	simm.s32 $0x108;
	s8 =	sld [smem:$0x3FAC]  }
0x2e: {  	s3 =	simm.s32 @!p0 $0x1082;
	s9 =	sld [smem:$0x3FAD]  }
0x2f: {  	lr =	sadd.s32 s0, s3;
	s0 =	sld [smem:$0x3FA4]  }
0x30: {  	s3 =	sld [smem:$0x3FA7]  }
0x31: {  	[smem:$0x3FB0] =	sst s10  }
0x32: {  	s10 =	sld [smem:$0x3FAE];
	_ =	sdelay $0x3  }
0x33: {  	p0 =	seq.s32 s10, $0x1;
	s10 =	sld [smem:$0x3FB0];
	_ =	sdelay $0x3  }
0x34: {  	[smem:$0x3FB0] =	sst s10  }
0x35: {  	s10 =	sld [smem:$0x3FAF];
	_ =	sdelay $0x3  }
0x36: {  	p1 =	seq.s32 s10, $0x1;
	s10 =	sld [smem:$0x3FB0];
	_ =	sdelay $0x3  }
0x37: {  	[smem:$0x3FB0] =	sst s10  }
0x38: {  	s10 =	sld [smem:$0x3FB1]  }
0x39: {  	_ = 	snop;
	(pc) =	sbr.ind lr, $3  }
0x3a: {  	_ = 	snop  }
0x3b: {  	_ = 	snop  }
0x3c: {  	p2 =	seq.s32 s10, $0x1;
	s10 =	sld [smem:$0x3FB0]  }
0x3d: {  	_ =	shalt  }
0x3e: {  	_ =	shalt  }
0x3f: {  	_ =	shalt  }
0x40: {  	_ =	shalt  }
0x41: {  	_ =	shalt  }
0x42: {  	_ =	shalt  }
0x43: {  	_ =	shalt  }
0x44: {  	_ =	shalt  }
0x45: {  	_ =	shalt  }
0x46: {  	_ =	shalt  }
0x47: {  	_ =	shalt  }
0x48: {  	_ =	shalt  }
0x49: {  	_ =	shalt  }
0x4a: {  	_ =	shalt  }
0x4b: {  	_ =	shalt  }
0x4c: {  	_ =	shalt  }
0x4d: {  	_ =	shalt  }
0x4e: {  	_ =	shalt  }
0x4f: {  	_ =	shalt  }
0x50: {  	_ =	shalt  }
0x51: {  	_ =	shalt  }
0x52: {  	_ =	shalt  }
0x53: {  	_ =	shalt  }
0x54: {  	_ =	shalt  }
0x55: {  	_ =	shalt  }
0x56: {  	_ =	shalt  }
0x57: {  	_ =	shalt  }
0x58: {  	_ =	shalt  }
0x59: {  	_ =	shalt  }
0x5a: {  	_ =	shalt  }
0x5b: {  	_ =	shalt  }
0x5c: {  	_ =	shalt  }
0x5d: {  	_ =	shalt  }
0x5e: {  	_ =	shalt  }
0x5f: {  	_ =	shalt  }
0x60: {  	_ =	shalt  }
0x61: {  	_ =	shalt  }
0x62: {  	_ =	shalt  }
0x63: {  	_ =	shalt  }
0x64: {  	_ =	shalt  }
0x65: {  	_ =	shalt  }
0x66: {  	_ =	shalt  }
0x67: {  	_ =	shalt  }
0x68: {  	_ =	shalt  }
0x69: {  	_ =	shalt  }
0x6a: {  	_ =	shalt  }
0x6b: {  	_ =	shalt  }
0x6c: {  	_ =	shalt  }
0x6d: {  	_ =	shalt  }
0x6e: {  	_ =	shalt  }
0x6f: {  	_ =	shalt  }
0x70: {  	_ =	shalt  }
0x71: {  	_ =	shalt  }
0x72: {  	_ =	shalt  }
0x73: {  	_ =	shalt  }
0x74: {  	_ =	shalt  }
0x75: {  	_ =	shalt  }
0x76: {  	_ =	shalt  }
0x77: {  	_ =	shalt  }
0x78: {  	_ =	shalt  }
0x79: {  	_ =	shalt  }
0x7a: {  	_ =	shalt  }
0x7b: {  	_ =	shalt  }
0x7c: {  	_ =	shalt  }
0x7d: {  	_ =	shalt  }
0x7e: {  	_ =	shalt  }
0x7f: {  	_ =	shalt  }
0x80: {  	_ =	shalt  }
0x81: {  	_ =	shalt  }
0x82: {  	_ =	shalt  }
0x83: {  	_ =	shalt  }
0x84: {  	_ =	shalt  }
0x85: {  	_ =	shalt  }
0x86: {  	_ =	shalt  }
0x87: {  	_ =	shalt  }
.Lfunc_end0:
.L_simem_size_0:
called_computation.2_lowered:
.L_overlay_start_0:
0x88: {  	s2 =	sld [smem:$0x3FD9]  }
0x89: {  	s3 =	sld [smem:$0x3FFE];
	_ =	sdelay $0x1  }
0x8a: {  	s1 =	srdreg.scid  }
0x8b: {  	s0 =	sand.u32 $0x1, s1  }
0x8c: {  	s17 =	sshll.u32 s0, $0xA;
	s2 =	sadd.s32 s3, s2  }
0x8d: {  	s2 =	sadd.s32 s2, s17  }
0x8e: {  	[smem:$0x3FBC] =	sst s2  }
0x8f: {  	_ = 	snop  }
0x90: {  	s2 =	sld [smem:$0x3FD0];
	(tm) =	ssettm $0x1  }
0x91: {  	s18 =	sld [smem:$0x3FFB];
	_ =	sdelay $0x3  }
0x92: {  	_ =	strace s18  }
0x93: {  	s3 =	sld [smem:$0x3FFC];
	_ =	sdelay $0x3  }
0x94: {  	_ =	strace s3  }
0x95: {  	s3 =	sld [smem:$0x3FFD];
	_ =	sdelay $0x3  }
0x96: {  	_ =	strace s3  }
0x97: {  	_ =	strace $0x8FFFFFFF  }
0x98: {  	s19 =	sld [smem:$0x3FDB];
	_ =	sdelay $0x1  }
0x99: {  	s4 =	simm.s32 $_scs_section_size  }
0x9a: {  	s5 =	simm.s32 $_size__tile_overlayer_lowered;
	s6 =	simm.s32 $_tile_overlayer_lowered  }
0x9b: {  	s22 =	simm.s32 $0x1BFF;
	s21 =	sshll.u32 s6, $0x1;
	s3 =	sadd.s32 s4, s19  }
0x9c: {  	s7 =	simm.s32 $0x0;
	s20 =	sshll.u32 s5, $0x1;
	s5 =	sadd.s32 s21, s3  }
0x9d: {  	[timem:s7], [sflag:s22] =	dma.local [hbm:s5], s20  }
0x9e: {  	_ =	swait.ge [sflag:s22], s20  }
0x9f: {  	s4 =	ssub.s32 $0x0, s20;
	[sflag:s22] =	ssyncset.done $0x0  }
0xa0: {  	[sflag:s22] =	ssyncadd.s32 s4;
	_ =	sdelay $0x1  }
0xa1: {  	s23 =	simm.s32 $0x1B8B  }
0xa2: {  	_ =	swait.ge [sflag:s23], $0x1  }
0xa3: {  	[sflag:s23] =	ssyncset.done $0x0  }
0xa4: {  	s25 =	simm.s32 $0x1B8E;
	s24 =	sld [smem:$0x3FFE];
	[sflag:s23] =	ssyncadd.s32 $0xFFFFFFFF  }
0xa5: {  	s26 =	simm.s32 $execute0_lowered;
	[smem:$0x3FD2] =	sst s25  }
0xa6: {  	s5 =	sshll.u32 s26, $0x1;
	_ =	strace $0x8000004C;
	[dreg:$0x1] =	wrdreg $0xFFFFFFFF  }
0xa7: {  	s28 =	simm.s32 $_size_execute0_lowered;
	s3 =	sadd.s32 s3, s5;
	[dreg:$0x0] =	wrdreg $0x0  }
0xa8: {  	s5 =	sshll.u32 s28, $0x1;
	[dreg:$0x2] =	wrdreg s3  }
0xa9: {  	[dreg:$0x3] =	wrdreg s5  }
0xaa: {  	[dreg:$0x4] =	wrdreg $0xC0  }
0xab: {  	_ =	task [dreg:s7], $0x5FFFF  }
0xac: {  	[dreg:$0x1] =	wrdreg $0xFFFFFFFF  }
0xad: {  	[dreg:$0x0] =	wrdreg $0x60  }
0xae: {  	[dreg:$0x2] =	wrdreg s2  }
0xaf: {  	[dreg:$0x3] =	wrdreg s24  }
0xb0: {  	[dreg:$0x4] =	wrdreg $0xDE000  }
0xb1: {  	[dreg:$0x5] =	wrdreg $0x9  }
0xb2: {  	_ =	task.clear_ibuf [dreg:s7], $0x6FFFF;
	_ =	strace $0x9000004C  }
0xb3: {  	s29 =	simm.s32 $0x9;
	_ =	strace $0x8000004E  }
0xb4: {  	_ =	swait.ge [sflag:s29], $0x1  }
0xb5: {  	[sflag:s29] =	ssyncadd.s32 $0xFFFFFFFF  }
0xb6: {  	_ =	strace $0x9000004E  }
0xb7: {  	_ =	sfence  }
0xb8: {  	s30 =	sld [smem:$0x0];
	_ =	sdelay $0x2  }
0xb9: {  	s31 =	sshll.u32 s1, $0xD;
	s1 =	sshrl.u32 s1, $0x2  }
0xba: {  	s3 =	sand.u32 $0x4000, s31;
	s1 =	sadd.s32 s1, s30  }
0xbb: {  	s0 =	sor.u32 s3, s0;
	s1 =	sshll.u32 s1, $0x11  }
0xbc: {  	s0 =	sor.u32 s1, s0  }
0xbd: {  	s0 =	sadd.s32 $0x8F2B, s0  }
0xbe: {  	[sflag:s0] =	ssyncadd.remote.s32 $0x1  }
0xbf: {  	_ =	sfence.sel $0xFFFF  }
0xc0: {  	[dreg:$0x0] =	wrdreg $0xFFFFFFFF;
	(pc) =	sbr.abs _section_cstart, $3  }
0xc1: {  	[dreg:$0x1] =	wrdreg $0xFFFFFFFF  }
0xc2: {  	_ =	task.clear_ibuf [dreg:s7], $0x2FFFF;
	_ =	strace $0x9FFFFFFF  }
0xc3: {  	(tm) =	ssettm $0x7FFFFFFF  }
tec
execute0_lowered:
.L_overlay_start_1:
0x0: {  	(tag) =	ssettag $0x1  }
0x1: {  	s7 =	rddreg [dreg:$0x0]  }
0x2: {  	s4 =	rddreg [dreg:$0x1]  }
0x3: {  	s2 =	rddreg [dreg:$0x2]  }
0x4: {  	s0 =	rddreg [dreg:$0x3];
	s1 =	stileid.u32  }
0x5: {  	s6 =	srdreg.scid;
	s3 =	simm.s32 $0x0;
	s14 =	simm.s32 $0x80  }
0x6: {  	s15 =	simm.s32 $0x9E00;
	s16 =	simm.s32 $0x1;
	s17 =	simm.s32 $0xBE00  }
0x7: {  	s18 =	simm.s32 $0x2;
	s19 =	simm.s32 $0x4E80;
	s20 =	simm.s32 $0x9D00  }
0x8: {  	s21 =	simm.s32 $0x9D80;
	s22 =	simm.s32 $0x0;
	s5 =	smul.u32 $0x9E0, s1  }
0x9: {  	s8 =	smul.u32 $0x9E00, s1;
	s6 =	sand.u32 $0x1, s6;
	[smem:$0x7FF] =	sst s3  }
0xa: {  	s31 =	sshll.u32 s1, $0x6;
	s9 =	smul.u32 $0x9E000, s6;
	_ =	strace $0x8000004D  }
0xb: {  	s11 =	ssub.s32 $0x2, s6;
	s30 =	smul.u32 $0x13880, s6;
	s5 =	sadd.s32 s5, s4  }
0xc: {  	s10 =	sshrl.u32 s8, $0x3;
	s12 =	sshrl.u32 s11, $0x1;
	s13 =	sadd.s32 s8, s2  }
0xd: {  	s9 =	sadd.s32 s8, s9;
	s10 =	sadd.s32 s10, s4;
	s11 =	ssub.s32 s11, s12  }
0xe: {  	s7 =	sadd.s32 s7, s30;
	s12 =	sor.u32 $0x1C03, s31;
	s13 =	sshrl.u32 s13, $0x3  }
0xf: {  	s9 =	sshrl.u32 s9, $0x3;
	s6 =	sadd.s32 $0xC600, s10;
	s10 =	simm.s32 $0x3  }
0x10: {  	s9 =	sadd.s32 s9, s4;
	s4 =	sadd.s32 $0x82E00, s5;
	s5 =	sadd.s32 $0x2800, s5  }
0x11: {  	s8 =	sadd.s32 $0x20200, s9;
	s9 =	smax.u32 s11, $0x1;
	s11 =	simm.s32 $0x4F00  }
.LBB2_1:
0x12: {  	[tilespmem:s3], [sflag:$0x3] =	stream.linear.gather [hbm4b:s4+s3], $0x4F00, $0x38;
	[tilespmem:$0x17C00] =	vst v63  }
0x13: {  	_ =	swait.ge [sflag:s10], $0x4F00  }
0x14: {  	[sflag:s10] =	ssyncset.done $0x0  }
0x15: {  	[sflag:s10] =	ssyncadd.s32 $0xFFFFB100  }
0x16: {  	[tilespmem:s11], [sflag:$0x3] =	stream.linear.gather [hbm4b:s5+s3], $0x4F00, $0x38;
	[tilespmem:$0x17C00] =	vst v63  }
0x17: {  	_ =	swait.ge [sflag:s10], $0x4F00  }
0x18: {  	[sflag:s10] =	ssyncset.done $0x0  }
0x19: {  	[sflag:s10] =	ssyncadd.s32 $0xFFFFB100  }
0x1a: {  	[spmem:s13], [sflag:s12] =	dma.local [hbm:s6], $0x13C0  }
0x1b: {  	_ =	swait.ge [sflag:s10], $0x13C0  }
0x1c: {  	[sflag:s10] =	ssyncset.done $0x0  }
0x1d: {  	[sflag:s10] =	ssyncadd.s32 $0xFFFFEC40  }
0x1e: {  	[bflag:$0x0] =	sbarrier.arrive $0xFFFF  }
0x1f: {  	[tilespmem:s15], [sflag:$0x1] =	stream.indirect.gather [hbm4b:s7+s14], $0x40, s3, s14, $0xb8;
	[tilespmem:$0x17C00] =	vst v63  }
0x20: {  	_ =	swait.ge [sflag:s16], $0x2000  }
0x21: {  	[sflag:s16] =	ssyncset.done $0x0  }
0x22: {  	s23 =	simm.s32 $0x80;
	[sflag:s16] =	ssyncadd.s32 $0xFFFFE000  }
0x23: {  	[tilespmem:s17], [sflag:$0x2] =	stream.indirect.gather [hbm4b:s7+s14], $0x40, s23, s14, $0xb8;
	[tilespmem:$0x17C00] =	vst v63  }
0x24: {  	s29 =	simm.s32 $0x4F00  }
0x25: {  	[spmem:s2] =	stream.indirect.scatter.add.f32 [tilespmem:s15], [sflag:$0x3], $0x40, s29, s14, $0xb8;
	[tilespmem:$0x17C00] =	vst v63  }
0x26: {  	_ =	swait.ge [sflag:s10], $0x2000  }
0x27: {  	[sflag:s10] =	ssyncset.done $0x0  }
0x28: {  	[sflag:s10] =	ssyncadd.s32 $0xFFFFE000  }
0x29: {  	_ =	swait.ge [sflag:s18], $0x2000  }
0x2a: {  	[sflag:s18] =	ssyncset.done $0x0  }
0x2b: {  	s30 =	simm.s32 $0x100;
	[sflag:s18] =	ssyncadd.s32 $0xFFFFE000  }
0x2c: {  	[tilespmem:s15], [sflag:$0x1] =	stream.indirect.gather [hbm4b:s7+s14], $0x40, s30, s14, $0xb8;
	[tilespmem:$0x17C00] =	vst v63  }
0x2d: {  	s31 =	simm.s32 $0x4F80  }
0x2e: {  	[spmem:s2] =	stream.indirect.scatter.add.f32 [tilespmem:s17], [sflag:$0x3], $0x40, s31, s14, $0xb8;
	[tilespmem:$0x17C00] =	vst v63  }
0x2f: {  	_ =	swait.ge [sflag:s10], $0x2000  }
0x30: {  	s23 =	simm.s32 $0x400;
	[sflag:s10] =	ssyncset.done $0x0  }
.LBB2_2:
0x31: {  	p0 =	sne.s32 s23, $0x13400  }
0x32: {  	[sflag:s10] =	ssyncadd.s32 $0xFFFFE000;
	s24 =	smov.u32 s23;
	s23 =	sadd.s32 $0x400, s23  }
0x33: {  	_ = 	snop  }
0x34: {  	_ =	swait.ge [sflag:s16], $0x2000  }
0x35: {  	s24 =	sshra.s32 s24, $0x2;
	[sflag:s16] =	ssyncset.done $0x0  }
0x36: {  	s25 =	sadd.s32 $0x80, s24;
	[sflag:s16] =	ssyncadd.s32 $0xFFFFE000  }
0x37: {  	[tilespmem:s17], [sflag:$0x2] =	stream.indirect.gather [hbm4b:s7+s14], $0x40, s25, s14, $0xb8;
	[tilespmem:$0x17C00] =	vst v63  }
0x38: {  	s25 =	sadd.s32 $0x4F00, s24  }
0x39: {  	[spmem:s2] =	stream.indirect.scatter.add.f32 [tilespmem:s15], [sflag:$0x3], $0x40, s25, s14, $0xb8;
	[tilespmem:$0x17C00] =	vst v63  }
0x3a: {  	_ =	swait.ge [sflag:s10], $0x2000  }
0x3b: {  	[sflag:s10] =	ssyncset.done $0x0  }
0x3c: {  	[sflag:s10] =	ssyncadd.s32 $0xFFFFE000  }
0x3d: {  	_ =	swait.ge [sflag:s18], $0x2000  }
0x3e: {  	[sflag:s18] =	ssyncset.done $0x0  }
0x3f: {  	s25 =	sadd.s32 $0x100, s24;
	[sflag:s18] =	ssyncadd.s32 $0xFFFFE000  }
0x40: {  	[tilespmem:s15], [sflag:$0x1] =	stream.indirect.gather [hbm4b:s7+s14], $0x40, s25, s14, $0xb8;
	[tilespmem:$0x17C00] =	vst v63  }
.Ltmp0:
0x41: {  	_ = 	snop;
	(pc) =	sbr.rel @p0 .LBB2_2-.Ltmp0, $4  }
0x42: {  	s24 =	sadd.s32 $0x4F80, s24  }
0x43: {  	[spmem:s2] =	stream.indirect.scatter.add.f32 [tilespmem:s17], [sflag:$0x3], $0x40, s24, s14, $0xb8;
	[tilespmem:$0x17C00] =	vst v63  }
0x44: {  	_ =	swait.ge [sflag:s10], $0x2000  }
0x45: {  	[sflag:s10] =	ssyncset.done $0x0  }
0x46: {  	[sflag:s10] =	ssyncadd.s32 $0xFFFFE000  }
0x47: {  	_ =	swait.ge [sflag:s16], $0x2000  }
0x48: {  	[sflag:s16] =	ssyncset.done $0x0  }
0x49: {  	[sflag:s16] =	ssyncadd.s32 $0xFFFFE000  }
0x4a: {  	[tilespmem:s17], [sflag:$0x2] =	stream.indirect.gather [hbm4b:s7+s14], $0x40, s19, s14, $0xb8;
	[tilespmem:$0x17C00] =	vst v63  }
0x4b: {  	_ = 	snop  }
0x4c: {  	[spmem:s2] =	stream.indirect.scatter.add.f32 [tilespmem:s15], [sflag:$0x3], $0x40, s20, s14, $0xb8;
	[tilespmem:$0x17C00] =	vst v63  }
0x4d: {  	_ =	swait.ge [sflag:s10], $0x2000  }
0x4e: {  	[sflag:s10] =	ssyncset.done $0x0  }
0x4f: {  	[sflag:s10] =	ssyncadd.s32 $0xFFFFE000  }
0x50: {  	_ =	swait.ge [sflag:s18], $0x2000  }
0x51: {  	[sflag:s18] =	ssyncset.done $0x0  }
0x52: {  	[sflag:s18] =	ssyncadd.s32 $0xFFFFE000  }
0x53: {  	[spmem:s2] =	stream.indirect.scatter.add.f32 [tilespmem:s17], [sflag:$0x3], $0x40, s21, s14, $0xb8;
	[tilespmem:$0x17C00] =	vst v63  }
0x54: {  	_ =	swait.ge [sflag:s10], $0x2000  }
0x55: {  	s22 =	sadd.s32 $0x1, s22;
	[sflag:s10] =	ssyncset.done $0x0  }
0x56: {  	p0 =	sne.s32 s22, s9;
	[sflag:s10] =	ssyncadd.s32 $0xFFFFE000  }
.Ltmp1:
0x57: {  	[bflag:$0x0] =	sbarrier.arrive $0xFFFF;
	(pc) =	sbr.rel @p0 .LBB2_1-.Ltmp1, $4  }
0x58: {  	[hbm:s8], [sflag:s12] =	dma.local [spmem:s13], $0x13C0  }
0x59: {  	_ =	swait.ge [sflag:s10], $0x13C0  }
0x5a: {  	[sflag:s10] =	ssyncset.done $0x0  }
0x5b: {  	[sflag:s10] =	ssyncadd.s32 $0xFFFFEC40  }
0x5c: {  	_ =	sfence.sel $0x180000  }
0x5d: {  	[bflag:$0x0] =	sbarrier.arrive $0xFFFF  }
0x5e: {  	p0 =	sne.s32 s1, $0x0;
	_ =	strace $0x9000004D  }
0x5f: {  	s0 =	sadd.s32 @!p0 $0x100000, s0;
	[bflag:$0x2] =	sbarrier.arrive $0xFFFF  }
0x60: {  	[sflag:s0] =	ssyncadd.tile.s32 @!p0 $0x1;
	_ =	shalt  }
.Lfunc_end2:
_tile_overlayer_lowered:
.L_overlay_start_2:
0x61: {  	(tag) =	ssettag $0x2  }
0x62: {  	s0 =	rddreg [dreg:$0x0];
	s2 =	stileid.u32  }
0x63: {  	s1 =	rddreg [dreg:$0x1];
	p0 =	sne.s32 s2, $0x0  }
0x64: {  	s3 =	rddreg [dreg:$0x2];
	[bflag:$0x3] =	sbarrier.arrive $0xFFFF;
	s2 =	simm.s32 @!p0 $0x1C03  }
0x65: {  	[timem:s3], [sflag:s2] =	dma.local @!p0 [hbm:s0], s1  }
0x66: {  	s0 =	simm.s32 @!p0 $0x3  }
0x67: {  	_ =	swait.ge @!p0 [sflag:s0], s1  }
0x68: {  	s1 =	ssub.s32 @!p0 $0x0, s1;
	[sflag:s0] =	ssyncset.done @!p0 $0x0  }
0x69: {  	[sflag:s0] =	ssyncadd.s32 @!p0 s1  }
0x6a: {  	[bflag:$0x3] =	sbarrier.arrive $0xFFFF  }
0x6b: {  	_ =	shalt  }

// kernel: kernel.9.cloned.1.call-start
scs
__scs_entry_jumppad:
0x0: {  	(pc) =	sbr.rel $0x88, $3  }
0x1: {  	(tag) =	ssettag $0x0;
	lr =	simm.s32 $0x1  }
0x2: {  	[smem:$0x3F95] =	sst lr;
	_ =	strace $0xD0000000  }
0x3: {  	_ = 	snop  }
0x4: {  	_ = 	snop  }
0x5: {  	_ = 	snop  }
0x6: {  	_ = 	snop  }
0x7: {  	_ = 	snop  }
__scs_overlays_trampoline_lowered:
0x8: {  	[smem:$0x3FA4] =	sst s0  }
0x9: {  	[smem:$0x3FA5] =	sst s1  }
0xa: {  	[smem:$0x3FA6] =	sst s2  }
0xb: {  	[smem:$0x3FA7] =	sst s3  }
0xc: {  	[smem:$0x3FA8] =	sst s4  }
0xd: {  	[smem:$0x3FA9] =	sst s5  }
0xe: {  	[smem:$0x3FAA] =	sst s6  }
0xf: {  	[smem:$0x3FAB] =	sst s7  }
0x10: {  	[smem:$0x3FAC] =	sst s8  }
0x11: {  	[smem:$0x3FAD] =	sst s9;
	s0 =	simm.s32 @!p0 $0x0  }
0x12: {  	s1 =	sld [smem:$0x3F93];
	s0 =	simm.s32 @p0 $0x1  }
0x13: {  	[smem:$0x3FAE] =	sst s0;
	s0 =	simm.s32 @!p1 $0x0  }
0x14: {  	s2 =	sld [smem:$0x3F92];
	s0 =	simm.s32 @p1 $0x1  }
0x15: {  	[smem:$0x3FAF] =	sst s0;
	s0 =	simm.s32 @!p2 $0x0  }
0x16: {  	s3 =	sld [smem:$0x3FDB];
	s0 =	simm.s32 @p2 $0x1  }
0x17: {  	s4 =	simm.s32 $0x1BF5;
	[smem:$0x3FB1] =	sst s0  }
0x18: {  	s0 =	sld [smem:$0x3F94];
	_ =	swait.ge [sflag:s4], $0x0  }
0x19: {  	s7 =	sld [smem:$0x3F95]  }
0x1a: {  	s8 =	sadd.s32 $0xFFFFE003, lr  }
0x1b: {  	s9 =	sadd.s32 $0xFFFFFEF7, lr;
	s5 =	simm.s32 $0xFFFFFFFF;
	p2 =	slt.u32 s8, $0xFFFFF086  }
0x1c: {  	p1 =	slt.u32 s9, $0xF7A;
	s5 =	simm.s32 @!p2 $0x0  }
0x1d: {  	s5 =	simm.s32 @p1 $0x1;
	p0 =	seq.s32 s7, s2  }
0x1e: {  	s7 =	smul.u32 @!p0 $0xF7A, s2;
	p2 =	seq.s32 @!p0 s5, $0x0  }
0x1f: {  	s9 =	smul.u32 $0xF7A, s1;
	s8 =	simm.s32 @!p0 $0x1BF5;
	p2 =	por !p2, p0  }
0x20: {  	[sflag:s8] =	ssyncset.s32 @!p0 $0xFFFFF086;
	s6 =	sadd.s32 @!p0 s3, s7;
	s7 =	simm.s32 @!p0 $0x108  }
0x21: {  	s3 =	sadd.s32 s3, s9;
	s6 =	sadd.s32 @!p0 $0x88, s6;
	s7 =	simm.s32 @p2 $0x1082  }
0x22: {  	[simem:s7], [sflag:s8] =	dma.local @!p0 [hbm:s6], $0xF7A  }
0x23: {  	s9 =	sor.u32 $0xD0000000, s2;
	s6 =	simm.s32 $0x108;
	_ =	swait.ge @!p0 [sflag:s8], $0x0  }
0x24: {  	s3 =	sadd.s32 $0x88, s3;
	s6 =	simm.s32 @!p1 $0x1082;
	[sflag:s4] =	ssyncset.s32 $0xFFFFF086  }
0x25: {  	[simem:s6], [sflag:s4] =	dma.local [hbm:s3], $0xF7A  }
0x26: {  	[smem:$0x3F95] =	sst s1;
	(tag) =	ssettag s2;
	_ =	strace s9  }
0x27: {  	s1 =	sld [smem:$0x3FA5]  }
0x28: {  	s2 =	sld [smem:$0x3FA6]  }
0x29: {  	s4 =	sld [smem:$0x3FA8]  }
0x2a: {  	p0 =	seq.s32 s5, $0x0;
	s5 =	sld [smem:$0x3FA9]  }
0x2b: {  	s6 =	sld [smem:$0x3FAA]  }
0x2c: {  	s7 =	sld [smem:$0x3FAB]  }
0x2d: {  	s3 =	simm.s32 $0x108;
	s8 =	sld [smem:$0x3FAC]  }
0x2e: {  	s3 =	simm.s32 @!p0 $0x1082;
	s9 =	sld [smem:$0x3FAD]  }
0x2f: {  	lr =	sadd.s32 s0, s3;
	s0 =	sld [smem:$0x3FA4]  }
0x30: {  	s3 =	sld [smem:$0x3FA7]  }
0x31: {  	[smem:$0x3FB0] =	sst s10  }
0x32: {  	s10 =	sld [smem:$0x3FAE];
	_ =	sdelay $0x3  }
0x33: {  	p0 =	seq.s32 s10, $0x1;
	s10 =	sld [smem:$0x3FB0];
	_ =	sdelay $0x3  }
0x34: {  	[smem:$0x3FB0] =	sst s10  }
0x35: {  	s10 =	sld [smem:$0x3FAF];
	_ =	sdelay $0x3  }
0x36: {  	p1 =	seq.s32 s10, $0x1;
	s10 =	sld [smem:$0x3FB0];
	_ =	sdelay $0x3  }
0x37: {  	[smem:$0x3FB0] =	sst s10  }
0x38: {  	s10 =	sld [smem:$0x3FB1]  }
0x39: {  	_ = 	snop;
	(pc) =	sbr.ind lr, $3  }
0x3a: {  	_ = 	snop  }
0x3b: {  	_ = 	snop  }
0x3c: {  	p2 =	seq.s32 s10, $0x1;
	s10 =	sld [smem:$0x3FB0]  }
0x3d: {  	_ =	shalt  }
0x3e: {  	_ =	shalt  }
0x3f: {  	_ =	shalt  }
0x40: {  	_ =	shalt  }
0x41: {  	_ =	shalt  }
0x42: {  	_ =	shalt  }
0x43: {  	_ =	shalt  }
0x44: {  	_ =	shalt  }
0x45: {  	_ =	shalt  }
0x46: {  	_ =	shalt  }
0x47: {  	_ =	shalt  }
0x48: {  	_ =	shalt  }
0x49: {  	_ =	shalt  }
0x4a: {  	_ =	shalt  }
0x4b: {  	_ =	shalt  }
0x4c: {  	_ =	shalt  }
0x4d: {  	_ =	shalt  }
0x4e: {  	_ =	shalt  }
0x4f: {  	_ =	shalt  }
0x50: {  	_ =	shalt  }
0x51: {  	_ =	shalt  }
0x52: {  	_ =	shalt  }
0x53: {  	_ =	shalt  }
0x54: {  	_ =	shalt  }
0x55: {  	_ =	shalt  }
0x56: {  	_ =	shalt  }
0x57: {  	_ =	shalt  }
0x58: {  	_ =	shalt  }
0x59: {  	_ =	shalt  }
0x5a: {  	_ =	shalt  }
0x5b: {  	_ =	shalt  }
0x5c: {  	_ =	shalt  }
0x5d: {  	_ =	shalt  }
0x5e: {  	_ =	shalt  }
0x5f: {  	_ =	shalt  }
0x60: {  	_ =	shalt  }
0x61: {  	_ =	shalt  }
0x62: {  	_ =	shalt  }
0x63: {  	_ =	shalt  }
0x64: {  	_ =	shalt  }
0x65: {  	_ =	shalt  }
0x66: {  	_ =	shalt  }
0x67: {  	_ =	shalt  }
0x68: {  	_ =	shalt  }
0x69: {  	_ =	shalt  }
0x6a: {  	_ =	shalt  }
0x6b: {  	_ =	shalt  }
0x6c: {  	_ =	shalt  }
0x6d: {  	_ =	shalt  }
0x6e: {  	_ =	shalt  }
0x6f: {  	_ =	shalt  }
0x70: {  	_ =	shalt  }
0x71: {  	_ =	shalt  }
0x72: {  	_ =	shalt  }
0x73: {  	_ =	shalt  }
0x74: {  	_ =	shalt  }
0x75: {  	_ =	shalt  }
0x76: {  	_ =	shalt  }
0x77: {  	_ =	shalt  }
0x78: {  	_ =	shalt  }
0x79: {  	_ =	shalt  }
0x7a: {  	_ =	shalt  }
0x7b: {  	_ =	shalt  }
0x7c: {  	_ =	shalt  }
0x7d: {  	_ =	shalt  }
0x7e: {  	_ =	shalt  }
0x7f: {  	_ =	shalt  }
0x80: {  	_ =	shalt  }
0x81: {  	_ =	shalt  }
0x82: {  	_ =	shalt  }
0x83: {  	_ =	shalt  }
0x84: {  	_ =	shalt  }
0x85: {  	_ =	shalt  }
0x86: {  	_ =	shalt  }
0x87: {  	_ =	shalt  }
.Lfunc_end0:
.L_simem_size_0:
called_computation_lowered:
.L_overlay_start_0:
0x88: {  	s2 =	sld [smem:$0x3FD9]  }
0x89: {  	s3 =	sld [smem:$0x3FFE];
	_ =	sdelay $0x1  }
0x8a: {  	s1 =	srdreg.scid  }
0x8b: {  	s0 =	sand.u32 $0x1, s1  }
0x8c: {  	s17 =	sshll.u32 s0, $0xA;
	s2 =	sadd.s32 s3, s2  }
0x8d: {  	s2 =	sadd.s32 s2, s17  }
0x8e: {  	[smem:$0x3FBC] =	sst s2  }
0x8f: {  	_ = 	snop  }
0x90: {  	s2 =	sld [smem:$0x3FD0];
	(tm) =	ssettm $0x1  }
0x91: {  	s18 =	sld [smem:$0x3FFB];
	_ =	sdelay $0x3  }
0x92: {  	_ =	strace s18  }
0x93: {  	s3 =	sld [smem:$0x3FFC];
	_ =	sdelay $0x3  }
0x94: {  	_ =	strace s3  }
0x95: {  	s3 =	sld [smem:$0x3FFD];
	_ =	sdelay $0x3  }
0x96: {  	_ =	strace s3  }
0x97: {  	_ =	strace $0x8FFFFFFF  }
0x98: {  	s19 =	sld [smem:$0x3FDB];
	_ =	sdelay $0x1  }
0x99: {  	s4 =	simm.s32 $_scs_section_size  }
0x9a: {  	s5 =	simm.s32 $_size__tile_overlayer_lowered;
	s6 =	simm.s32 $_tile_overlayer_lowered  }
0x9b: {  	s22 =	simm.s32 $0x1BFF;
	s21 =	sshll.u32 s6, $0x1;
	s3 =	sadd.s32 s4, s19  }
0x9c: {  	s7 =	simm.s32 $0x0;
	s20 =	sshll.u32 s5, $0x1;
	s5 =	sadd.s32 s21, s3  }
0x9d: {  	[timem:s7], [sflag:s22] =	dma.local [hbm:s5], s20  }
0x9e: {  	_ =	swait.ge [sflag:s22], s20  }
0x9f: {  	s4 =	ssub.s32 $0x0, s20;
	[sflag:s22] =	ssyncset.done $0x0  }
0xa0: {  	[sflag:s22] =	ssyncadd.s32 s4;
	_ =	sdelay $0x1  }
0xa1: {  	s23 =	simm.s32 $0x1B8B  }
0xa2: {  	_ =	swait.ge [sflag:s23], $0x1  }
0xa3: {  	[sflag:s23] =	ssyncset.done $0x0  }
0xa4: {  	s25 =	simm.s32 $0x1B8E;
	s24 =	sld [smem:$0x3FFE];
	[sflag:s23] =	ssyncadd.s32 $0xFFFFFFFF  }
0xa5: {  	s26 =	simm.s32 $execute0_lowered;
	[smem:$0x3FD2] =	sst s25  }
0xa6: {  	s5 =	sshll.u32 s26, $0x1;
	_ =	strace $0x80000046;
	[dreg:$0x1] =	wrdreg $0xFFFFFFFF  }
0xa7: {  	s28 =	simm.s32 $_size_execute0_lowered;
	s3 =	sadd.s32 s3, s5;
	[dreg:$0x0] =	wrdreg $0x0  }
0xa8: {  	s5 =	sshll.u32 s28, $0x1;
	[dreg:$0x2] =	wrdreg s3  }
0xa9: {  	[dreg:$0x3] =	wrdreg s5  }
0xaa: {  	[dreg:$0x4] =	wrdreg $0xC0  }
0xab: {  	_ =	task [dreg:s7], $0x5FFFF  }
0xac: {  	[dreg:$0x1] =	wrdreg $0xFFFFFFFF  }
0xad: {  	[dreg:$0x0] =	wrdreg $0x60  }
0xae: {  	[dreg:$0x2] =	wrdreg s2  }
0xaf: {  	[dreg:$0x3] =	wrdreg s24  }
0xb0: {  	[dreg:$0x4] =	wrdreg $0x68000  }
0xb1: {  	[dreg:$0x5] =	wrdreg $0x9  }
0xb2: {  	_ =	task.clear_ibuf [dreg:s7], $0x6FFFF;
	_ =	strace $0x90000046  }
0xb3: {  	s29 =	simm.s32 $0x9;
	_ =	strace $0x80000048  }
0xb4: {  	_ =	swait.ge [sflag:s29], $0x1  }
0xb5: {  	[sflag:s29] =	ssyncadd.s32 $0xFFFFFFFF  }
0xb6: {  	_ =	strace $0x90000048  }
0xb7: {  	_ =	sfence  }
0xb8: {  	s30 =	sld [smem:$0x0];
	_ =	sdelay $0x2  }
0xb9: {  	s31 =	sshll.u32 s1, $0xD;
	s1 =	sshrl.u32 s1, $0x2  }
0xba: {  	s3 =	sand.u32 $0x4000, s31;
	s1 =	sadd.s32 s1, s30  }
0xbb: {  	s0 =	sor.u32 s3, s0;
	s1 =	sshll.u32 s1, $0x11  }
0xbc: {  	s0 =	sor.u32 s1, s0  }
0xbd: {  	s0 =	sadd.s32 $0x8F2B, s0  }
0xbe: {  	[sflag:s0] =	ssyncadd.remote.s32 $0x1  }
0xbf: {  	_ =	sfence.sel $0xFFFF  }
0xc0: {  	[dreg:$0x0] =	wrdreg $0xFFFFFFFF;
	(pc) =	sbr.abs _section_cstart, $3  }
0xc1: {  	[dreg:$0x1] =	wrdreg $0xFFFFFFFF  }
0xc2: {  	_ =	task.clear_ibuf [dreg:s7], $0x2FFFF;
	_ =	strace $0x9FFFFFFF  }
0xc3: {  	(tm) =	ssettm $0x7FFFFFFF  }
tec
execute0_lowered:
.L_overlay_start_1:
0x0: {  	(tag) =	ssettag $0x1  }
0x1: {  	s4 =	rddreg [dreg:$0x0]  }
0x2: {  	s5 =	rddreg [dreg:$0x1]  }
0x3: {  	s2 =	rddreg [dreg:$0x2]  }
0x4: {  	s0 =	rddreg [dreg:$0x3]  }
0x5: {  	s1 =	stileid.u32;
	s6 =	srdreg.scid;
	s3 =	simm.s32 $0x0  }
0x6: {  	s12 =	simm.s32 $0x2800;
	s13 =	simm.s32 $0x0;
	s7 =	smul.u32 $0x13C00, s1  }
0x7: {  	s6 =	sand.u32 $0x1, s6;
	[smem:$0x7FF] =	sst s3;
	s10 =	smul.u32 $0x4F000, s1  }
0x8: {  	s31 =	sshll.u32 s1, $0x6;
	s8 =	smul.u32 $0x13C000, s6;
	_ =	strace $0x80000047  }
0x9: {  	s29 =	sshll.u32 s6, $0x4;
	s6 =	ssub.s32 $0x2, s6;
	s9 =	sshrl.u32 s7, $0x3  }
0xa: {  	s11 =	sshrl.u32 s6, $0x1;
	s30 =	sshrl.u32 s10, $0x2;
	s9 =	sadd.s32 s9, s5  }
0xb: {  	s7 =	sadd.s32 s7, s8;
	s8 =	sor.u32 s1, s29;
	s11 =	ssub.s32 s6, s11  }
0xc: {  	s10 =	sadd.s32 s30, s2;
	s7 =	sshrl.u32 s7, $0x3;
	s8 =	smul.u32 $0x500, s8  }
0xd: {  	s10 =	sshrl.u32 s10, $0x3;
	s7 =	sadd.s32 s7, s5;
	s5 =	sadd.s32 $0xC600, s9  }
0xe: {  	s9 =	sor.u32 $0x1C01, s31;
	s4 =	sadd.s32 s4, s8;
	s6 =	sadd.s32 $0x33E00, s7  }
0xf: {  	v0 =	vimm.f32 $1.000000000e+00;
	s7 =	smax.u32 s11, $0x1;
	s8 =	simm.s32 $0x1;
	s11 =	simm.s32 $0x80  }
.LBB2_1:
0x10: {  	[tilespmem:s3], [sflag:$0x1] =	stream.linear.gather [hbm4b:s4+s3], $0x2780, $0x38;
	[tilespmem:$0x8F80] =	vst v63  }
0x11: {  	_ =	swait.ge [sflag:s8], $0x2780  }
0x12: {  	[sflag:s8] =	ssyncset.done $0x0  }
0x13: {  	s14 =	simm.s32 $0x200;
	s15 =	simm.s32 $0x0;
	[sflag:s8] =	ssyncadd.s32 $0xFFFFD880  }
.LBB2_2:
0x14: {  	p0 =	sne.s32 s14, $0xFE00;
	[tilespmem:s15+$0x2800] =	vst v0;
	s15 =	smov.u32 s14;
	s14 =	sadd.s32 $0x200, s14  }
.Ltmp0:
0x15: {  	(pc) =	sbr.rel @p0 .LBB2_2-.Ltmp0, $2  }
0x16: {  	_ =	sdelay $0x2  }
0x17: {  	s15 =	sshra.s32 s15, $0x2  }
0x18: {  	[tilespmem:s15+$0x2800] =	vst v0  }
0x19: {  	[spmem:s10], [sflag:s9] =	dma.local [hbm:s5], $0x2780  }
0x1a: {  	_ =	swait.ge [sflag:s8], $0x2780  }
0x1b: {  	[sflag:s8] =	ssyncset.done $0x0  }
0x1c: {  	[sflag:s8] =	ssyncadd.s32 $0xFFFFD880  }
0x1d: {  	s14 =	simm.s32 $0x0;
	[bflag:$0x0] =	sbarrier.arrive $0xFFFF  }
0x1e: {  	[spmem:s2] =	stream.indirect.scatter.add.f32 [tilespmem:s12], [sflag:$0x1], $0x10, s14, s11, $0xb8;
	[tilespmem:$0x8F80] =	vst v63  }
0x1f: {  	_ =	swait.ge [sflag:s8], $0x800  }
0x20: {  	s14 =	simm.s32 $0x200;
	[sflag:s8] =	ssyncset.done $0x0  }
.LBB2_4:
0x21: {  	s15 =	sshra.s32 s14, $0x2;
	[sflag:s8] =	ssyncadd.s32 $0xFFFFF800;
	p0 =	sne.s32 s14, $0x9C00  }
0x22: {  	[spmem:s2] =	stream.indirect.scatter.add.f32 [tilespmem:s12], [sflag:$0x1], $0x10, s15, s11, $0xb8;
	[tilespmem:$0x8F80] =	vst v63  }
.Ltmp1:
0x23: {  	_ = 	snop;
	(pc) =	sbr.rel @p0 .LBB2_4-.Ltmp1, $4  }
0x24: {  	_ = 	snop  }
0x25: {  	s14 =	sadd.s32 $0x200, s14  }
0x26: {  	_ =	swait.ge [sflag:s8], $0x800  }
0x27: {  	[sflag:s8] =	ssyncset.done $0x0  }
0x28: {  	s13 =	sadd.s32 $0x1, s13  }
0x29: {  	[sflag:s8] =	ssyncadd.s32 $0xFFFFF800;
	p0 =	sne.s32 s13, s7  }
.Ltmp2:
0x2a: {  	[bflag:$0x0] =	sbarrier.arrive $0xFFFF;
	(pc) =	sbr.rel @p0 .LBB2_1-.Ltmp2, $4  }
0x2b: {  	[hbm:s6], [sflag:s9] =	dma.local [spmem:s10], $0x2780  }
0x2c: {  	_ =	swait.ge [sflag:s8], $0x2780  }
0x2d: {  	[sflag:s8] =	ssyncset.done $0x0  }
0x2e: {  	[sflag:s8] =	ssyncadd.s32 $0xFFFFD880  }
0x2f: {  	_ =	sfence.sel $0x180000  }
0x30: {  	[bflag:$0x0] =	sbarrier.arrive $0xFFFF  }
0x31: {  	p0 =	sne.s32 s1, $0x0;
	_ =	strace $0x90000047  }
0x32: {  	s0 =	sadd.s32 @!p0 $0x100000, s0;
	[bflag:$0x2] =	sbarrier.arrive $0xFFFF  }
0x33: {  	[sflag:s0] =	ssyncadd.tile.s32 @!p0 $0x1;
	_ =	shalt  }
.Lfunc_end2:
_tile_overlayer_lowered:
.L_overlay_start_2:
0x34: {  	(tag) =	ssettag $0x2  }
0x35: {  	s0 =	rddreg [dreg:$0x0];
	s2 =	stileid.u32  }
0x36: {  	s1 =	rddreg [dreg:$0x1];
	p0 =	sne.s32 s2, $0x0  }
0x37: {  	s3 =	rddreg [dreg:$0x2];
	[bflag:$0x3] =	sbarrier.arrive $0xFFFF;
	s2 =	simm.s32 @!p0 $0x1C01  }
0x38: {  	[timem:s3], [sflag:s2] =	dma.local @!p0 [hbm:s0], s1  }
0x39: {  	s0 =	simm.s32 @!p0 $0x1  }
0x3a: {  	_ =	swait.ge @!p0 [sflag:s0], s1  }
0x3b: {  	s1 =	ssub.s32 @!p0 $0x0, s1;
	[sflag:s0] =	ssyncset.done @!p0 $0x0  }
0x3c: {  	[sflag:s0] =	ssyncadd.s32 @!p0 s1  }
0x3d: {  	[bflag:$0x3] =	sbarrier.arrive $0xFFFF  }
0x3e: {  	_ =	shalt  }

</sc_bundles>
